<compile_context>
chip_gen: v7x
topology: tpu7x:2x2x1
jax: 0.10.2.dev20260603
libtpu: 0.0.44.dev20260713+nightly
codegen_flags: <defaults>
</compile_context>

<pallas_src>
import functools

import jax
import jax.numpy as jnp
from jax import lax
from jax.experimental import pallas as pl
from jax.experimental.pallas import tpu as pltpu
from jax.experimental.pallas import tpu_sc as plsc

BATCH = 16384
HIST = 50
DIM = 32
TOTAL = BATCH * HIST
NUM_WORKERS = 32
PER_WORKER = TOTAL // NUM_WORKERS
CHUNK = 128
STEPS = PER_WORKER // CHUNK
LANES = 16
BB = BATCH // CHUNK

_mesh = plsc.VectorSubcoreMesh(core_axis_name="c", subcore_axis_name="s")


@functools.partial(
    pl.kernel,
    mesh=_mesh,
    out_type=jax.ShapeDtypeStruct((HIST, DIM // 8, BB, 8, CHUNK), jnp.float32),
    scratch_types=[
        pltpu.VMEM((STEPS, CHUNK), jnp.int32),
        pltpu.VMEM((2, CHUNK, DIM), jnp.float32),
        pltpu.VMEM((2, DIM // 8, 8, CHUNK + 1), jnp.float32),
        pltpu.SemaphoreType.DMA,
        pltpu.SemaphoreType.DMA,
        pltpu.SemaphoreType.DMA,
        pltpu.SemaphoreType.DMA,
    ],
    compiler_params=pltpu.CompilerParams(
        use_tc_tiling_on_sc=False, needs_layout_passes=False
    ),
)
def _sc_gather(idx_hbm, table_hbm, out_hbm, idx_v, rows_v, t_v, g0, g1, o0, o1):
    wid = lax.axis_index("s") * 2 + lax.axis_index("c")
    pltpu.sync_copy(idx_hbm.at[wid], idx_v)
    cbase = wid * STEPS
    gsem = (g0, g1)
    osem = (o0, o1)

    iota = lax.iota(jnp.int32, LANES)
    zeros16 = jnp.zeros((LANES,), jnp.int32)
    db0 = iota // 8
    s0 = iota % 8
    db1 = (iota + LANES) // 8
    s1 = (iota + LANES) % 8

    def fire_gather(t, b):
        pltpu.async_copy(table_hbm.at[idx_v.at[t]], rows_v.at[b], gsem[b])

    def drain_gather(b):
        pltpu.make_async_copy(
            table_hbm.at[pl.ds(0, CHUNK)], rows_v.at[b], gsem[b]
        ).wait()

    def t_src(b):
        return t_v.at[b].at[:, :, pl.ds(0, CHUNK)]

    def drain_out(b):
        pltpu.make_async_copy(
            t_src(b), out_hbm.at[0, :, 0], osem[b]
        ).wait()

    def step(t, b):
        nb = 1 - b

        @pl.when(t + 1 < STEPS)
        def _():
            fire_gather(t + 1, nb)

        drain_gather(b)

        @pl.when(t >= 2)
        def _():
            drain_out(b)

        rv = rows_v.at[b]
        tv = t_v.at[b]

        def trans_r(r, carry):
            lvec = zeros16 + r
            v0 = rv[r, pl.ds(0, LANES)]
            v1 = rv[r, pl.ds(LANES, LANES)]
            plsc.store_scatter(tv, [db0, s0, lvec], v0)
            plsc.store_scatter(tv, [db1, s1, lvec], v1)
            return carry

        lax.fori_loop(0, CHUNK, trans_r, 0)

        c = cbase + t
        h = c // BB
        bb = c % BB
        pltpu.async_copy(t_src(b), out_hbm.at[h, :, bb], osem[b])

    fire_gather(0, 0)

    def body(t2, carry):
        step(2 * t2, 0)
        step(2 * t2 + 1, 1)
        return carry

    lax.fori_loop(0, STEPS // 2, body, 0)
    drain_out(0)
    drain_out(1)


def kernel(x, weight):
    idx = x.T.reshape(NUM_WORKERS, STEPS, CHUNK)
    out5 = _sc_gather(idx, weight)
    t = out5.transpose(0, 1, 3, 2, 4)
    return t.reshape(HIST, DIM, BATCH).transpose(2, 0, 1)

# --- scband reference (transcript-rebuilt; emitter-appended) ---
"""Pipeline reference for scband-vocab-parallel-embedding-65283502899225 (READ-ONLY COPY).

The authoritative reference and input builder live on the scoring server;
editing this copy changes nothing except your own understanding.
"""

import jax, jax.numpy as jnp
import numpy as np

NUM_EMBEDDINGS = 1000000
EMBEDDING_DIM = 32
BATCH = 16384
HIST = 50

def setup_inputs(seed: int = 0) -> dict:
    key = jax.random.key(seed)
    k1, k2 = jax.random.split(key)
    x = jax.random.randint(k1, (BATCH, HIST), 0, NUM_EMBEDDINGS, dtype=jnp.int64 if jax.config.jax_enable_x64 else jnp.int32)
    weight = jax.random.normal(k2, (NUM_EMBEDDINGS, EMBEDDING_DIM), dtype=jnp.float32) * 0.02
    return {"x": x, "weight": weight}

def reference(x, weight):
    # F.embedding(x, weight) -> gather rows of the table
    y = jnp.take(weight, x, axis=0)
    return y

if __name__ == "__main__":
    import jax
    _d = setup_inputs()
    print(jax.jit(kernel)(*tuple(_d.values())))

</pallas_src>

<mosaic_0001>
#map = affine_map<(d0, d1) -> (0, 0, 0)>
#map1 = affine_map<(d0, d1) -> (0, 0)>
#map2 = affine_map<(d0, d1) -> (0, 0, 0, 0, 0)>
module attributes {stable_mosaic.version = 14 : i64} {
  func.func @_sc_gather(%arg0: i32, %arg1: i32, %arg2: memref<32x200x128xi32, #tpu.memory_space<hbm>>, %arg3: memref<1000000x32xf32, #tpu.memory_space<hbm>>, %arg4: memref<50x4x128x8x128xf32, #tpu.memory_space<hbm>>, %arg5: memref<200x128xi32, #tpu.memory_space<vmem>>, %arg6: memref<2x128x32xf32, #tpu.memory_space<vmem>>, %arg7: memref<2x4x8x129xf32, #tpu.memory_space<vmem>>, %arg8: memref<!tpu.dma_semaphore, #tpu.memory_space<semaphore_mem>>, %arg9: memref<!tpu.dma_semaphore, #tpu.memory_space<semaphore_mem>>, %arg10: memref<!tpu.dma_semaphore, #tpu.memory_space<semaphore_mem>>, %arg11: memref<!tpu.dma_semaphore, #tpu.memory_space<semaphore_mem>>) attributes {dimension_semantics = [#tpu.dimension_semantics<core_parallel>, #tpu.dimension_semantics<subcore_parallel>], iteration_bounds = array<i64: 2, 16>, scalar_prefetch = 0 : i64, scratch_operands = 7 : i64, tpu.core_type = #tpu.core_type<sc_vector_subcore>, window_params = [{transform_indices = #map}, {transform_indices = #map1}, {transform_indices = #map2}]} {
    %mul3A = arith.constant 2 : i32
    %mul3A_0 = arith.muli %arg1, %mul3A : i32
    %add3A = arith.addi %mul3A_0, %arg0 : i32
    "tpu.region"() ({
      %run_scoped3A = tpu.sem_alloc : memref<!tpu.dma_semaphore, #tpu.memory_space<semaphore_mem>>
      %dma_start3A_183 = arith.constant 0 : i32
      %dma_start3A_184 = arith.constant 0 : i32
      %dma_start3A_185 = tpu.memref_slice %arg2[%add3A, %dma_start3A_183, %dma_start3A_184] : memref<32x200x128xi32, #tpu.memory_space<hbm>> -> memref<1x200x128xi32, #tpu.memory_space<hbm>>
      %dma_start3A_186 = tpu.memref_squeeze %dma_start3A_185 : memref<1x200x128xi32, #tpu.memory_space<hbm>> -> memref<200x128xi32, #tpu.memory_space<hbm>>
      %dma_start3A_187 = arith.constant 0 : i32
      %dma_start3A_188 = arith.constant 0 : i32
      %dma_start3A_189 = tpu.memref_slice %arg2[%add3A, %dma_start3A_187, %dma_start3A_188] : memref<32x200x128xi32, #tpu.memory_space<hbm>> -> memref<1x200x128xi32, #tpu.memory_space<hbm>>
      %dma_start3A_190 = tpu.memref_squeeze %dma_start3A_189 : memref<1x200x128xi32, #tpu.memory_space<hbm>> -> memref<200x128xi32, #tpu.memory_space<hbm>>
      tpu.enqueue_dma source(%dma_start3A_190 : memref<200x128xi32, #tpu.memory_space<hbm>>) target(%arg5 : memref<200x128xi32, #tpu.memory_space<vmem>>) target_semaphore(%run_scoped3A : memref<!tpu.dma_semaphore, #tpu.memory_space<semaphore_mem>>)
      %dma_wait3A_191 = arith.constant 0 : i32
      %dma_wait3A_192 = arith.constant 0 : i32
      %dma_wait3A_193 = tpu.memref_slice %arg2[%add3A, %dma_wait3A_191, %dma_wait3A_192] : memref<32x200x128xi32, #tpu.memory_space<hbm>> -> memref<1x200x128xi32, #tpu.memory_space<hbm>>
      %dma_wait3A_194 = tpu.memref_squeeze %dma_wait3A_193 : memref<1x200x128xi32, #tpu.memory_space<hbm>> -> memref<200x128xi32, #tpu.memory_space<hbm>>
      %dma_wait3A_195 = arith.constant 0 : i32
      %dma_wait3A_196 = arith.constant 0 : i32
      %dma_wait3A_197 = tpu.memref_slice %arg2[%add3A, %dma_wait3A_195, %dma_wait3A_196] : memref<32x200x128xi32, #tpu.memory_space<hbm>> -> memref<1x200x128xi32, #tpu.memory_space<hbm>>
      %dma_wait3A_198 = tpu.memref_squeeze %dma_wait3A_197 : memref<1x200x128xi32, #tpu.memory_space<hbm>> -> memref<200x128xi32, #tpu.memory_space<hbm>>
      tpu.wait_dma2 semaphore(%run_scoped3A : memref<!tpu.dma_semaphore, #tpu.memory_space<semaphore_mem>>) src(%dma_wait3A_198 : memref<200x128xi32, #tpu.memory_space<hbm>>) dst(%arg5 : memref<200x128xi32, #tpu.memory_space<vmem>>)
      tpu.yield
    }) : () -> ()
    %mul3A_1 = arith.constant 200 : i32
    %mul3A_2 = arith.muli %add3A, %mul3A_1 : i32
    %iota3A = tpu.iota {dimensions = array<i32: 0>} : vector<16xi32>
    %broadcast_in_dim3A = arith.constant 0 : i32
    %broadcast_in_dim3A_3 = vector.broadcast %broadcast_in_dim3A : i32 to vector<16xi32>
    %jit3A = arith.constant 8 : i32
    %div3A = vector.broadcast %jit3A : i32 to vector<16xi32>
    %div3A_4 = arith.divsi %iota3A, %div3A : vector<16xi32>
    %sign3A = arith.constant 0 : i32
    %sign3A_5 = vector.broadcast %sign3A : i32 to vector<16xi32>
    %sign3A_6 = arith.cmpi sgt, %iota3A, %sign3A_5 : vector<16xi32>
    %sign3A_7 = arith.extui %sign3A_6 : vector<16xi1> to vector<16xi32>
    %sign3A_8 = arith.constant 0 : i32
    %sign3A_9 = vector.broadcast %sign3A_8 : i32 to vector<16xi32>
    %sign3A_10 = arith.cmpi slt, %iota3A, %sign3A_9 : vector<16xi32>
    %sign3A_11 = arith.extui %sign3A_10 : vector<16xi1> to vector<16xi32>
    %sign3A_12 = arith.subi %sign3A_7, %sign3A_11 : vector<16xi32>
    %sign3A_13 = arith.constant 0 : i32
    %sign3A_14 = arith.cmpi sgt, %jit3A, %sign3A_13 : i32
    %sign3A_15 = arith.extui %sign3A_14 : i1 to i32
    %sign3A_16 = arith.constant 0 : i32
    %sign3A_17 = arith.cmpi slt, %jit3A, %sign3A_16 : i32
    %sign3A_18 = arith.extui %sign3A_17 : i1 to i32
    %sign3A_19 = arith.subi %sign3A_15, %sign3A_18 : i32
    %ne3A = vector.broadcast %sign3A_19 : i32 to vector<16xi32>
    %ne3A_20 = arith.cmpi ne, %sign3A_12, %ne3A : vector<16xi32>
    %rem3A = vector.broadcast %jit3A : i32 to vector<16xi32>
    %rem3A_21 = arith.remsi %iota3A, %rem3A : vector<16xi32>
    %ne3A_22 = arith.constant 0 : i32
    %ne3A_23 = vector.broadcast %ne3A_22 : i32 to vector<16xi32>
    %ne3A_24 = arith.cmpi ne, %rem3A_21, %ne3A_23 : vector<16xi32>
    %and3A = arith.andi %ne3A_20, %ne3A_24 : vector<16xi1>
    %sub3A = arith.constant 1 : i32
    %sub3A_25 = vector.broadcast %sub3A : i32 to vector<16xi32>
    %sub3A_26 = arith.subi %div3A_4, %sub3A_25 : vector<16xi32>
    %select_n3A = arith.select %and3A, %sub3A_26, %div3A_4 : vector<16xi1>, vector<16xi32>
    %jit3A_27 = arith.constant 8 : i32
    %eq3A = arith.constant 0 : i32
    %eq3A_28 = arith.cmpi eq, %jit3A_27, %eq3A : i32
    %jit3A_29 = arith.constant 1 : i32
    %select_n3A_30 = arith.select %eq3A_28, %jit3A_29, %jit3A_27 : i32
    %rem3A_31 = vector.broadcast %select_n3A_30 : i32 to vector<16xi32>
    %rem3A_32 = arith.remsi %iota3A, %rem3A_31 : vector<16xi32>
    %ne3A_33 = arith.constant 0 : i32
    %ne3A_34 = vector.broadcast %ne3A_33 : i32 to vector<16xi32>
    %ne3A_35 = arith.cmpi ne, %rem3A_32, %ne3A_34 : vector<16xi32>
    %lt3A = arith.constant 0 : i32
    %lt3A_36 = vector.broadcast %lt3A : i32 to vector<16xi32>
    %lt3A_37 = arith.cmpi slt, %rem3A_32, %lt3A_36 : vector<16xi32>
    %lt3A_38 = arith.constant 0 : i32
    %lt3A_39 = arith.cmpi slt, %select_n3A_30, %lt3A_38 : i32
    %ne3A_40 = vector.broadcast %lt3A_39 : i1 to vector<16xi1>
    %ne3A_41 = vector.broadcast %ne3A_40 : vector<16xi1> to vector<16xi1>
    %ne3A_42 = arith.xori %lt3A_37, %ne3A_41 : vector<16xi1>
    %and3A_43 = arith.andi %ne3A_42, %ne3A_35 : vector<16xi1>
    %add3A_44 = vector.broadcast %select_n3A_30 : i32 to vector<16xi32>
    %add3A_45 = arith.addi %rem3A_32, %add3A_44 : vector<16xi32>
    %select_n3A_46 = arith.select %and3A_43, %add3A_45, %rem3A_32 : vector<16xi1>, vector<16xi32>
    %add3A_47 = arith.constant 16 : i32
    %add3A_48 = vector.broadcast %add3A_47 : i32 to vector<16xi32>
    %add3A_49 = arith.addi %iota3A, %add3A_48 : vector<16xi32>
    %jit3A_50 = arith.constant 8 : i32
    %div3A_51 = vector.broadcast %jit3A_50 : i32 to vector<16xi32>
    %div3A_52 = arith.divsi %add3A_49, %div3A_51 : vector<16xi32>
    %sign3A_53 = arith.constant 0 : i32
    %sign3A_54 = vector.broadcast %sign3A_53 : i32 to vector<16xi32>
    %sign3A_55 = arith.cmpi sgt, %add3A_49, %sign3A_54 : vector<16xi32>
    %sign3A_56 = arith.extui %sign3A_55 : vector<16xi1> to vector<16xi32>
    %sign3A_57 = arith.constant 0 : i32
    %sign3A_58 = vector.broadcast %sign3A_57 : i32 to vector<16xi32>
    %sign3A_59 = arith.cmpi slt, %add3A_49, %sign3A_58 : vector<16xi32>
    %sign3A_60 = arith.extui %sign3A_59 : vector<16xi1> to vector<16xi32>
    %sign3A_61 = arith.subi %sign3A_56, %sign3A_60 : vector<16xi32>
    %sign3A_62 = arith.constant 0 : i32
    %sign3A_63 = arith.cmpi sgt, %jit3A_50, %sign3A_62 : i32
    %sign3A_64 = arith.extui %sign3A_63 : i1 to i32
    %sign3A_65 = arith.constant 0 : i32
    %sign3A_66 = arith.cmpi slt, %jit3A_50, %sign3A_65 : i32
    %sign3A_67 = arith.extui %sign3A_66 : i1 to i32
    %sign3A_68 = arith.subi %sign3A_64, %sign3A_67 : i32
    %ne3A_69 = vector.broadcast %sign3A_68 : i32 to vector<16xi32>
    %ne3A_70 = arith.cmpi ne, %sign3A_61, %ne3A_69 : vector<16xi32>
    %rem3A_71 = vector.broadcast %jit3A_50 : i32 to vector<16xi32>
    %rem3A_72 = arith.remsi %add3A_49, %rem3A_71 : vector<16xi32>
    %ne3A_73 = arith.constant 0 : i32
    %ne3A_74 = vector.broadcast %ne3A_73 : i32 to vector<16xi32>
    %ne3A_75 = arith.cmpi ne, %rem3A_72, %ne3A_74 : vector<16xi32>
    %and3A_76 = arith.andi %ne3A_70, %ne3A_75 : vector<16xi1>
    %sub3A_77 = arith.constant 1 : i32
    %sub3A_78 = vector.broadcast %sub3A_77 : i32 to vector<16xi32>
    %sub3A_79 = arith.subi %div3A_52, %sub3A_78 : vector<16xi32>
    %select_n3A_80 = arith.select %and3A_76, %sub3A_79, %div3A_52 : vector<16xi1>, vector<16xi32>
    %add3A_81 = arith.constant 16 : i32
    %add3A_82 = vector.broadcast %add3A_81 : i32 to vector<16xi32>
    %add3A_83 = arith.addi %iota3A, %add3A_82 : vector<16xi32>
    %jit3A_84 = arith.constant 8 : i32
    %eq3A_85 = arith.constant 0 : i32
    %eq3A_86 = arith.cmpi eq, %jit3A_84, %eq3A_85 : i32
    %jit3A_87 = arith.constant 1 : i32
    %select_n3A_88 = arith.select %eq3A_86, %jit3A_87, %jit3A_84 : i32
    %rem3A_89 = vector.broadcast %select_n3A_88 : i32 to vector<16xi32>
    %rem3A_90 = arith.remsi %add3A_83, %rem3A_89 : vector<16xi32>
    %ne3A_91 = arith.constant 0 : i32
    %ne3A_92 = vector.broadcast %ne3A_91 : i32 to vector<16xi32>
    %ne3A_93 = arith.cmpi ne, %rem3A_90, %ne3A_92 : vector<16xi32>
    %lt3A_94 = arith.constant 0 : i32
    %lt3A_95 = vector.broadcast %lt3A_94 : i32 to vector<16xi32>
    %lt3A_96 = arith.cmpi slt, %rem3A_90, %lt3A_95 : vector<16xi32>
    %lt3A_97 = arith.constant 0 : i32
    %lt3A_98 = arith.cmpi slt, %select_n3A_88, %lt3A_97 : i32
    %ne3A_99 = vector.broadcast %lt3A_98 : i1 to vector<16xi1>
    %ne3A_100 = vector.broadcast %ne3A_99 : vector<16xi1> to vector<16xi1>
    %ne3A_101 = arith.xori %lt3A_96, %ne3A_100 : vector<16xi1>
    %and3A_102 = arith.andi %ne3A_101, %ne3A_93 : vector<16xi1>
    %add3A_103 = vector.broadcast %select_n3A_88 : i32 to vector<16xi32>
    %add3A_104 = arith.addi %rem3A_90, %add3A_103 : vector<16xi32>
    %select_n3A_105 = arith.select %and3A_102, %add3A_104, %rem3A_90 : vector<16xi1>, vector<16xi32>
    %dma_start3A = arith.constant 0 : i32
    %dma_start3A_106 = arith.constant 0 : i32
    %dma_start3A_107 = arith.constant 0 : i32
    %dma_start3A_108 = arith.constant 0 : i32
    %dma_start3A_109 = tpu.memref_slice %arg6[%dma_start3A_106, %dma_start3A_107, %dma_start3A_108] : memref<2x128x32xf32, #tpu.memory_space<vmem>> -> memref<1x128x32xf32, #tpu.memory_space<vmem>>
    %dma_start3A_110 = tpu.memref_squeeze %dma_start3A_109 : memref<1x128x32xf32, #tpu.memory_space<vmem>> -> memref<128x32xf32, #tpu.memory_space<vmem>>
    %dma_start3A_111 = arith.constant 0 : i32
    %dma_start3A_112 = tpu.memref_slice %arg5[%dma_start3A, %dma_start3A_111] : memref<200x128xi32, #tpu.memory_space<vmem>> -> memref<1x128xi32, #tpu.memory_space<vmem>>
    %dma_start3A_113 = tpu.memref_squeeze %dma_start3A_112 : memref<1x128xi32, #tpu.memory_space<vmem>> -> memref<128xi32, #tpu.memory_space<vmem>>
    %dma_start3A_114 = arith.constant 0 : i32
    %dma_start3A_115 = arith.constant 0 : i32
    %dma_start3A_116 = tpu.memref_slice %arg3[%dma_start3A_114, %dma_start3A_115] : memref<1000000x32xf32, #tpu.memory_space<hbm>> -> memref<1000000x32xf32, #tpu.memory_space<hbm>>
    tpu.enqueue_indirect_dma source(%dma_start3A_116 : memref<1000000x32xf32, #tpu.memory_space<hbm>>) target(%dma_start3A_110 : memref<128x32xf32, #tpu.memory_space<vmem>>) offsets(%dma_start3A_113 : memref<128xi32, #tpu.memory_space<vmem>>) semaphore(%arg8 : memref<!tpu.dma_semaphore, #tpu.memory_space<semaphore_mem>>)
    %scan3A = arith.constant 0 : i32
    %scan3A_117 = arith.constant 0 : i32
    %scan3A_118 = arith.constant 100 : i32
    %scan3A_119 = arith.addi %scan3A_117, %scan3A_118 : i32
    %scan3A_120 = arith.constant 1 : i32
    scf.for %scan3A_183 = %scan3A_117 to %scan3A_119 step %scan3A_120  : i32 {
      %mul3A_184 = arith.constant 2 : i32
      %mul3A_185 = arith.muli %mul3A_184, %scan3A_183 : i32
      %add3A_186 = arith.constant 1 : i32
      %add3A_187 = arith.addi %mul3A_185, %add3A_186 : i32
      %lt3A_188 = arith.constant 200 : i32
      %lt3A_189 = arith.cmpi slt, %add3A_187, %lt3A_188 : i32
      %convert_element_type3A = arith.extui %lt3A_189 : i1 to i32
      %cond3A = arith.constant 0 : i32
      %cond3A_190 = arith.cmpi ne, %convert_element_type3A, %cond3A : i32
      scf.if %cond3A_190 {
        %add3A_397 = arith.constant 1 : i32
        %add3A_398 = arith.addi %mul3A_185, %add3A_397 : i32
        %dma_start3A_399 = arith.constant 1 : i32
        %dma_start3A_400 = arith.constant 0 : i32
        %dma_start3A_401 = arith.constant 0 : i32
        %dma_start3A_402 = tpu.memref_slice %arg6[%dma_start3A_399, %dma_start3A_400, %dma_start3A_401] : memref<2x128x32xf32, #tpu.memory_space<vmem>> -> memref<1x128x32xf32, #tpu.memory_space<vmem>>
        %dma_start3A_403 = tpu.memref_squeeze %dma_start3A_402 : memref<1x128x32xf32, #tpu.memory_space<vmem>> -> memref<128x32xf32, #tpu.memory_space<vmem>>
        %dma_start3A_404 = arith.constant 0 : i32
        %dma_start3A_405 = tpu.memref_slice %arg5[%add3A_398, %dma_start3A_404] : memref<200x128xi32, #tpu.memory_space<vmem>> -> memref<1x128xi32, #tpu.memory_space<vmem>>
        %dma_start3A_406 = tpu.memref_squeeze %dma_start3A_405 : memref<1x128xi32, #tpu.memory_space<vmem>> -> memref<128xi32, #tpu.memory_space<vmem>>
        %dma_start3A_407 = arith.constant 0 : i32
        %dma_start3A_408 = arith.constant 0 : i32
        %dma_start3A_409 = tpu.memref_slice %arg3[%dma_start3A_407, %dma_start3A_408] : memref<1000000x32xf32, #tpu.memory_space<hbm>> -> memref<1000000x32xf32, #tpu.memory_space<hbm>>
        tpu.enqueue_indirect_dma source(%dma_start3A_409 : memref<1000000x32xf32, #tpu.memory_space<hbm>>) target(%dma_start3A_403 : memref<128x32xf32, #tpu.memory_space<vmem>>) offsets(%dma_start3A_406 : memref<128xi32, #tpu.memory_space<vmem>>) semaphore(%arg9 : memref<!tpu.dma_semaphore, #tpu.memory_space<semaphore_mem>>)
      } else {
      }
      %dma_wait3A_191 = arith.constant 0 : i32
      %dma_wait3A_192 = arith.constant 0 : i32
      %dma_wait3A_193 = arith.constant 0 : i32
      %dma_wait3A_194 = tpu.memref_slice %arg6[%dma_wait3A_191, %dma_wait3A_192, %dma_wait3A_193] : memref<2x128x32xf32, #tpu.memory_space<vmem>> -> memref<1x128x32xf32, #tpu.memory_space<vmem>>
      %dma_wait3A_195 = tpu.memref_squeeze %dma_wait3A_194 : memref<1x128x32xf32, #tpu.memory_space<vmem>> -> memref<128x32xf32, #tpu.memory_space<vmem>>
      %dma_wait3A_196 = arith.constant 0 : i32
      %dma_wait3A_197 = arith.constant 0 : i32
      %dma_wait3A_198 = tpu.memref_slice %arg3[%dma_wait3A_196, %dma_wait3A_197] : memref<1000000x32xf32, #tpu.memory_space<hbm>> -> memref<128x32xf32, #tpu.memory_space<hbm>>
      %dma_wait3A_199 = arith.constant 0 : i32
      %dma_wait3A_200 = arith.constant 0 : i32
      %dma_wait3A_201 = tpu.memref_slice %arg6[%dma_wait3A_191, %dma_wait3A_199, %dma_wait3A_200] : memref<2x128x32xf32, #tpu.memory_space<vmem>> -> memref<1x128x32xf32, #tpu.memory_space<vmem>>
      %dma_wait3A_202 = tpu.memref_squeeze %dma_wait3A_201 : memref<1x128x32xf32, #tpu.memory_space<vmem>> -> memref<128x32xf32, #tpu.memory_space<vmem>>
      %dma_wait3A_203 = arith.constant 0 : i32
      %dma_wait3A_204 = arith.constant 0 : i32
      %dma_wait3A_205 = tpu.memref_slice %arg3[%dma_wait3A_203, %dma_wait3A_204] : memref<1000000x32xf32, #tpu.memory_space<hbm>> -> memref<128x32xf32, #tpu.memory_space<hbm>>
      tpu.wait_dma2 semaphore(%arg8 : memref<!tpu.dma_semaphore, #tpu.memory_space<semaphore_mem>>) src(%dma_wait3A_205 : memref<128x32xf32, #tpu.memory_space<hbm>>) dst(%dma_wait3A_202 : memref<128x32xf32, #tpu.memory_space<vmem>>)
      %ge3A = arith.constant 2 : i32
      %ge3A_206 = arith.cmpi sge, %mul3A_185, %ge3A : i32
      %convert_element_type3A_207 = arith.extui %ge3A_206 : i1 to i32
      %cond3A_208 = arith.constant 0 : i32
      %cond3A_209 = arith.cmpi ne, %convert_element_type3A_207, %cond3A_208 : i32
      scf.if %cond3A_209 {
        %dma_wait3A_397 = arith.constant 0 : i32
        %dma_wait3A_398 = arith.constant 0 : i32
        %dma_wait3A_399 = arith.constant 0 : i32
        %dma_wait3A_400 = arith.constant 0 : i32
        %dma_wait3A_401 = arith.constant 0 : i32
        %dma_wait3A_402 = arith.constant 0 : i32
        %dma_wait3A_403 = tpu.memref_slice %arg7[%dma_wait3A_397, %dma_wait3A_400, %dma_wait3A_401, %dma_wait3A_402] : memref<2x4x8x129xf32, #tpu.memory_space<vmem>> -> memref<1x4x8x129xf32, #tpu.memory_space<vmem>>
        %dma_wait3A_404 = tpu.memref_squeeze %dma_wait3A_403 : memref<1x4x8x129xf32, #tpu.memory_space<vmem>> -> memref<4x8x129xf32, #tpu.memory_space<vmem>>
        %dma_wait3A_405 = arith.constant 0 : i32
        %dma_wait3A_406 = arith.constant 0 : i32
        %dma_wait3A_407 = arith.constant 0 : i32
        %dma_wait3A_408 = tpu.memref_slice %dma_wait3A_404[%dma_wait3A_405, %dma_wait3A_406, %dma_wait3A_407] : memref<4x8x129xf32, #tpu.memory_space<vmem>> -> memref<4x8x128xf32, #tpu.memory_space<vmem>>
        %dma_wait3A_409 = arith.constant 0 : i32
        %dma_wait3A_410 = arith.constant 0 : i32
        %dma_wait3A_411 = arith.constant 0 : i32
        %dma_wait3A_412 = tpu.memref_slice %arg4[%dma_wait3A_398, %dma_wait3A_409, %dma_wait3A_399, %dma_wait3A_410, %dma_wait3A_411] : memref<50x4x128x8x128xf32, #tpu.memory_space<hbm>> -> memref<1x4x1x8x128xf32, #tpu.memory_space<hbm>>
        %dma_wait3A_413 = tpu.memref_squeeze %dma_wait3A_412 : memref<1x4x1x8x128xf32, #tpu.memory_space<hbm>> -> memref<4x8x128xf32, #tpu.memory_space<hbm>>
        %dma_wait3A_414 = arith.constant 0 : i32
        %dma_wait3A_415 = arith.constant 0 : i32
        %dma_wait3A_416 = arith.constant 0 : i32
        %dma_wait3A_417 = tpu.memref_slice %arg4[%dma_wait3A_398, %dma_wait3A_414, %dma_wait3A_399, %dma_wait3A_415, %dma_wait3A_416] : memref<50x4x128x8x128xf32, #tpu.memory_space<hbm>> -> memref<1x4x1x8x128xf32, #tpu.memory_space<hbm>>
        %dma_wait3A_418 = tpu.memref_squeeze %dma_wait3A_417 : memref<1x4x1x8x128xf32, #tpu.memory_space<hbm>> -> memref<4x8x128xf32, #tpu.memory_space<hbm>>
        %dma_wait3A_419 = arith.constant 0 : i32
        %dma_wait3A_420 = arith.constant 0 : i32
        %dma_wait3A_421 = arith.constant 0 : i32
        %dma_wait3A_422 = tpu.memref_slice %arg7[%dma_wait3A_397, %dma_wait3A_419, %dma_wait3A_420, %dma_wait3A_421] : memref<2x4x8x129xf32, #tpu.memory_space<vmem>> -> memref<1x4x8x129xf32, #tpu.memory_space<vmem>>
        %dma_wait3A_423 = tpu.memref_squeeze %dma_wait3A_422 : memref<1x4x8x129xf32, #tpu.memory_space<vmem>> -> memref<4x8x129xf32, #tpu.memory_space<vmem>>
        %dma_wait3A_424 = arith.constant 0 : i32
        %dma_wait3A_425 = arith.constant 0 : i32
        %dma_wait3A_426 = arith.constant 0 : i32
        %dma_wait3A_427 = tpu.memref_slice %dma_wait3A_423[%dma_wait3A_424, %dma_wait3A_425, %dma_wait3A_426] : memref<4x8x129xf32, #tpu.memory_space<vmem>> -> memref<4x8x128xf32, #tpu.memory_space<vmem>>
        tpu.wait_dma2 semaphore(%arg10 : memref<!tpu.dma_semaphore, #tpu.memory_space<semaphore_mem>>) src(%dma_wait3A_427 : memref<4x8x128xf32, #tpu.memory_space<vmem>>) dst(%dma_wait3A_418 : memref<4x8x128xf32, #tpu.memory_space<hbm>>)
      } else {
      }
      %scan3A_210 = arith.constant 0 : i32
      %scan3A_211 = arith.constant 0 : i32
      %scan3A_212 = arith.constant 0 : i32
      %scan3A_213 = arith.constant 0 : i32
      %scan3A_214 = arith.constant 128 : i32
      %scan3A_215 = arith.addi %scan3A_213, %scan3A_214 : i32
      %scan3A_216 = arith.constant 1 : i32
      scf.for %scan3A_397 = %scan3A_213 to %scan3A_215 step %scan3A_216  : i32 {
        %add3A_398 = vector.broadcast %scan3A_397 : i32 to vector<16xi32>
        %add3A_399 = arith.addi %broadcast_in_dim3A_3, %add3A_398 : vector<16xi32>
        %get3A = arith.constant 0 : i32
        %get3A_400 = arith.constant 0 : i32
        %get3A_401 = tpu.memref_slice %arg6[%scan3A_211, %get3A, %get3A_400] : memref<2x128x32xf32, #tpu.memory_space<vmem>> -> memref<1x128x32xf32, #tpu.memory_space<vmem>>
        %get3A_402 = tpu.memref_squeeze %get3A_401 : memref<1x128x32xf32, #tpu.memory_space<vmem>> -> memref<128x32xf32, #tpu.memory_space<vmem>>
        %get3A_403 = arith.index_cast %scan3A_397 : i32 to index
        %get3A_404 = arith.constant 0 : index
        %get3A_405 = tpu.vector_load %get3A_402[%get3A_403, %get3A_404] {strides = array<i32>} : memref<128x32xf32, #tpu.memory_space<vmem>>, vector<16xf32>,
        %get3A_406 = arith.constant 0 : i32
        %get3A_407 = arith.constant 0 : i32
        %get3A_408 = tpu.memref_slice %arg6[%scan3A_211, %get3A_406, %get3A_407] : memref<2x128x32xf32, #tpu.memory_space<vmem>> -> memref<1x128x32xf32, #tpu.memory_space<vmem>>
        %get3A_409 = tpu.memref_squeeze %get3A_408 : memref<1x128x32xf32, #tpu.memory_space<vmem>> -> memref<128x32xf32, #tpu.memory_space<vmem>>
        %get3A_410 = arith.index_cast %scan3A_397 : i32 to index
        %get3A_411 = arith.constant 16 : index
        %get3A_412 = tpu.vector_load %get3A_409[%get3A_410, %get3A_411] {strides = array<i32>} : memref<128x32xf32, #tpu.memory_space<vmem>>, vector<16xf32>,
        %scatter3A = arith.constant 0 : i32
        %scatter3A_413 = arith.constant 0 : i32
        %scatter3A_414 = arith.constant 0 : i32
        %scatter3A_415 = tpu.memref_slice %arg7[%scan3A_212, %scatter3A, %scatter3A_413, %scatter3A_414] : memref<2x4x8x129xf32, #tpu.memory_space<vmem>> -> memref<1x4x8x129xf32, #tpu.memory_space<vmem>>
        %scatter3A_416 = tpu.memref_squeeze %scatter3A_415 : memref<1x4x8x129xf32, #tpu.memory_space<vmem>> -> memref<4x8x129xf32, #tpu.memory_space<vmem>>
        tpu.vector_store_idx %scatter3A_416[%select_n3A, %select_n3A_46, %add3A_399], %get3A_405 : memref<4x8x129xf32, #tpu.memory_space<vmem>>[vector<16xi32>, vector<16xi32>, vector<16xi32>], vector<16xf32>,
        %scatter3A_417 = arith.constant 0 : i32
        %scatter3A_418 = arith.constant 0 : i32
        %scatter3A_419 = arith.constant 0 : i32
        %scatter3A_420 = tpu.memref_slice %arg7[%scan3A_212, %scatter3A_417, %scatter3A_418, %scatter3A_419] : memref<2x4x8x129xf32, #tpu.memory_space<vmem>> -> memref<1x4x8x129xf32, #tpu.memory_space<vmem>>
        %scatter3A_421 = tpu.memref_squeeze %scatter3A_420 : memref<1x4x8x129xf32, #tpu.memory_space<vmem>> -> memref<4x8x129xf32, #tpu.memory_space<vmem>>
        tpu.vector_store_idx %scatter3A_421[%select_n3A_80, %select_n3A_105, %add3A_399], %get3A_412 : memref<4x8x129xf32, #tpu.memory_space<vmem>>[vector<16xi32>, vector<16xi32>, vector<16xi32>], vector<16xf32>,
      }
      %scan3A_217 = arith.constant 128 : i32
      %add3A_218 = arith.addi %mul3A_2, %mul3A_185 : i32
      %jit3A_219 = arith.constant 128 : i32
      %div3A_220 = arith.divsi %add3A_218, %jit3A_219 : i32
      %sign3A_221 = arith.constant 0 : i32
      %sign3A_222 = arith.cmpi sgt, %add3A_218, %sign3A_221 : i32
      %sign3A_223 = arith.extui %sign3A_222 : i1 to i32
      %sign3A_224 = arith.constant 0 : i32
      %sign3A_225 = arith.cmpi slt, %add3A_218, %sign3A_224 : i32
      %sign3A_226 = arith.extui %sign3A_225 : i1 to i32
      %sign3A_227 = arith.subi %sign3A_223, %sign3A_226 : i32
      %sign3A_228 = arith.constant 0 : i32
      %sign3A_229 = arith.cmpi sgt, %jit3A_219, %sign3A_228 : i32
      %sign3A_230 = arith.extui %sign3A_229 : i1 to i32
      %sign3A_231 = arith.constant 0 : i32
      %sign3A_232 = arith.cmpi slt, %jit3A_219, %sign3A_231 : i32
      %sign3A_233 = arith.extui %sign3A_232 : i1 to i32
      %sign3A_234 = arith.subi %sign3A_230, %sign3A_233 : i32
      %ne3A_235 = arith.cmpi ne, %sign3A_227, %sign3A_234 : i32
      %rem3A_236 = arith.remsi %add3A_218, %jit3A_219 : i32
      %ne3A_237 = arith.constant 0 : i32
      %ne3A_238 = arith.cmpi ne, %rem3A_236, %ne3A_237 : i32
      %and3A_239 = arith.andi %ne3A_235, %ne3A_238 : i1
      %sub3A_240 = arith.constant 1 : i32
      %sub3A_241 = arith.subi %div3A_220, %sub3A_240 : i32
      %select_n3A_242 = arith.select %and3A_239, %sub3A_241, %div3A_220 : i32
      %jit3A_243 = arith.constant 128 : i32
      %eq3A_244 = arith.constant 0 : i32
      %eq3A_245 = arith.cmpi eq, %jit3A_243, %eq3A_244 : i32
      %jit3A_246 = arith.constant 1 : i32
      %select_n3A_247 = arith.select %eq3A_245, %jit3A_246, %jit3A_243 : i32
      %rem3A_248 = arith.remsi %add3A_218, %select_n3A_247 : i32
      %ne3A_249 = arith.constant 0 : i32
      %ne3A_250 = arith.cmpi ne, %rem3A_248, %ne3A_249 : i32
      %lt3A_251 = arith.constant 0 : i32
      %lt3A_252 = arith.cmpi slt, %rem3A_248, %lt3A_251 : i32
      %lt3A_253 = arith.constant 0 : i32
      %lt3A_254 = arith.cmpi slt, %select_n3A_247, %lt3A_253 : i32
      %ne3A_255 = arith.xori %lt3A_252, %lt3A_254 : i1
      %and3A_256 = arith.andi %ne3A_255, %ne3A_250 : i1
      %add3A_257 = arith.addi %rem3A_248, %select_n3A_247 : i32
      %select_n3A_258 = arith.select %and3A_256, %add3A_257, %rem3A_248 : i32
      %dma_start3A_259 = arith.constant 0 : i32
      %dma_start3A_260 = arith.constant 0 : i32
      %dma_start3A_261 = arith.constant 0 : i32
      %dma_start3A_262 = arith.constant 0 : i32
      %dma_start3A_263 = tpu.memref_slice %arg7[%dma_start3A_259, %dma_start3A_260, %dma_start3A_261, %dma_start3A_262] : memref<2x4x8x129xf32, #tpu.memory_space<vmem>> -> memref<1x4x8x129xf32, #tpu.memory_space<vmem>>
      %dma_start3A_264 = tpu.memref_squeeze %dma_start3A_263 : memref<1x4x8x129xf32, #tpu.memory_space<vmem>> -> memref<4x8x129xf32, #tpu.memory_space<vmem>>
      %dma_start3A_265 = arith.constant 0 : i32
      %dma_start3A_266 = arith.constant 0 : i32
      %dma_start3A_267 = arith.constant 0 : i32
      %dma_start3A_268 = tpu.memref_slice %dma_start3A_264[%dma_start3A_265, %dma_start3A_266, %dma_start3A_267] : memref<4x8x129xf32, #tpu.memory_space<vmem>> -> memref<4x8x128xf32, #tpu.memory_space<vmem>>
      %dma_start3A_269 = arith.constant 0 : i32
      %dma_start3A_270 = arith.constant 0 : i32
      %dma_start3A_271 = arith.constant 0 : i32
      %dma_start3A_272 = tpu.memref_slice %arg4[%select_n3A_242, %dma_start3A_269, %select_n3A_258, %dma_start3A_270, %dma_start3A_271] : memref<50x4x128x8x128xf32, #tpu.memory_space<hbm>> -> memref<1x4x1x8x128xf32, #tpu.memory_space<hbm>>
      %dma_start3A_273 = tpu.memref_squeeze %dma_start3A_272 : memref<1x4x1x8x128xf32, #tpu.memory_space<hbm>> -> memref<4x8x128xf32, #tpu.memory_space<hbm>>
      %dma_start3A_274 = arith.constant 0 : i32
      %dma_start3A_275 = arith.constant 0 : i32
      %dma_start3A_276 = arith.constant 0 : i32
      %dma_start3A_277 = tpu.memref_slice %arg4[%select_n3A_242, %dma_start3A_274, %select_n3A_258, %dma_start3A_275, %dma_start3A_276] : memref<50x4x128x8x128xf32, #tpu.memory_space<hbm>> -> memref<1x4x1x8x128xf32, #tpu.memory_space<hbm>>
      %dma_start3A_278 = tpu.memref_squeeze %dma_start3A_277 : memref<1x4x1x8x128xf32, #tpu.memory_space<hbm>> -> memref<4x8x128xf32, #tpu.memory_space<hbm>>
      %dma_start3A_279 = arith.constant 0 : i32
      %dma_start3A_280 = arith.constant 0 : i32
      %dma_start3A_281 = arith.constant 0 : i32
      %dma_start3A_282 = tpu.memref_slice %arg7[%dma_start3A_259, %dma_start3A_279, %dma_start3A_280, %dma_start3A_281] : memref<2x4x8x129xf32, #tpu.memory_space<vmem>> -> memref<1x4x8x129xf32, #tpu.memory_space<vmem>>
      %dma_start3A_283 = tpu.memref_squeeze %dma_start3A_282 : memref<1x4x8x129xf32, #tpu.memory_space<vmem>> -> memref<4x8x129xf32, #tpu.memory_space<vmem>>
      %dma_start3A_284 = arith.constant 0 : i32
      %dma_start3A_285 = arith.constant 0 : i32
      %dma_start3A_286 = arith.constant 0 : i32
      %dma_start3A_287 = tpu.memref_slice %dma_start3A_283[%dma_start3A_284, %dma_start3A_285, %dma_start3A_286] : memref<4x8x129xf32, #tpu.memory_space<vmem>> -> memref<4x8x128xf32, #tpu.memory_space<vmem>>
      tpu.enqueue_dma source(%dma_start3A_287 : memref<4x8x128xf32, #tpu.memory_space<vmem>>) target(%dma_start3A_278 : memref<4x8x128xf32, #tpu.memory_space<hbm>>) target_semaphore(%arg10 : memref<!tpu.dma_semaphore, #tpu.memory_space<semaphore_mem>>)
      %mul3A_288 = arith.constant 2 : i32
      %mul3A_289 = arith.muli %mul3A_288, %scan3A_183 : i32
      %add3A_290 = arith.constant 1 : i32
      %add3A_291 = arith.addi %mul3A_289, %add3A_290 : i32
      %add3A_292 = arith.constant 1 : i32
      %add3A_293 = arith.addi %add3A_291, %add3A_292 : i32
      %lt3A_294 = arith.constant 200 : i32
      %lt3A_295 = arith.cmpi slt, %add3A_293, %lt3A_294 : i32
      %convert_element_type3A_296 = arith.extui %lt3A_295 : i1 to i32
      %cond3A_297 = arith.constant 0 : i32
      %cond3A_298 = arith.cmpi ne, %convert_element_type3A_296, %cond3A_297 : i32
      scf.if %cond3A_298 {
        %add3A_397 = arith.constant 1 : i32
        %add3A_398 = arith.addi %add3A_291, %add3A_397 : i32
        %dma_start3A_399 = arith.constant 0 : i32
        %dma_start3A_400 = arith.constant 0 : i32
        %dma_start3A_401 = arith.constant 0 : i32
        %dma_start3A_402 = tpu.memref_slice %arg6[%dma_start3A_399, %dma_start3A_400, %dma_start3A_401] : memref<2x128x32xf32, #tpu.memory_space<vmem>> -> memref<1x128x32xf32, #tpu.memory_space<vmem>>
        %dma_start3A_403 = tpu.memref_squeeze %dma_start3A_402 : memref<1x128x32xf32, #tpu.memory_space<vmem>> -> memref<128x32xf32, #tpu.memory_space<vmem>>
        %dma_start3A_404 = arith.constant 0 : i32
        %dma_start3A_405 = tpu.memref_slice %arg5[%add3A_398, %dma_start3A_404] : memref<200x128xi32, #tpu.memory_space<vmem>> -> memref<1x128xi32, #tpu.memory_space<vmem>>
        %dma_start3A_406 = tpu.memref_squeeze %dma_start3A_405 : memref<1x128xi32, #tpu.memory_space<vmem>> -> memref<128xi32, #tpu.memory_space<vmem>>
        %dma_start3A_407 = arith.constant 0 : i32
        %dma_start3A_408 = arith.constant 0 : i32
        %dma_start3A_409 = tpu.memref_slice %arg3[%dma_start3A_407, %dma_start3A_408] : memref<1000000x32xf32, #tpu.memory_space<hbm>> -> memref<1000000x32xf32, #tpu.memory_space<hbm>>
        tpu.enqueue_indirect_dma source(%dma_start3A_409 : memref<1000000x32xf32, #tpu.memory_space<hbm>>) target(%dma_start3A_403 : memref<128x32xf32, #tpu.memory_space<vmem>>) offsets(%dma_start3A_406 : memref<128xi32, #tpu.memory_space<vmem>>) semaphore(%arg8 : memref<!tpu.dma_semaphore, #tpu.memory_space<semaphore_mem>>)
      } else {
      }
      %dma_wait3A_299 = arith.constant 1 : i32
      %dma_wait3A_300 = arith.constant 0 : i32
      %dma_wait3A_301 = arith.constant 0 : i32
      %dma_wait3A_302 = tpu.memref_slice %arg6[%dma_wait3A_299, %dma_wait3A_300, %dma_wait3A_301] : memref<2x128x32xf32, #tpu.memory_space<vmem>> -> memref<1x128x32xf32, #tpu.memory_space<vmem>>
      %dma_wait3A_303 = tpu.memref_squeeze %dma_wait3A_302 : memref<1x128x32xf32, #tpu.memory_space<vmem>> -> memref<128x32xf32, #tpu.memory_space<vmem>>
      %dma_wait3A_304 = arith.constant 0 : i32
      %dma_wait3A_305 = arith.constant 0 : i32
      %dma_wait3A_306 = tpu.memref_slice %arg3[%dma_wait3A_304, %dma_wait3A_305] : memref<1000000x32xf32, #tpu.memory_space<hbm>> -> memref<128x32xf32, #tpu.memory_space<hbm>>
      %dma_wait3A_307 = arith.constant 0 : i32
      %dma_wait3A_308 = arith.constant 0 : i32
      %dma_wait3A_309 = tpu.memref_slice %arg6[%dma_wait3A_299, %dma_wait3A_307, %dma_wait3A_308] : memref<2x128x32xf32, #tpu.memory_space<vmem>> -> memref<1x128x32xf32, #tpu.memory_space<vmem>>
      %dma_wait3A_310 = tpu.memref_squeeze %dma_wait3A_309 : memref<1x128x32xf32, #tpu.memory_space<vmem>> -> memref<128x32xf32, #tpu.memory_space<vmem>>
      %dma_wait3A_311 = arith.constant 0 : i32
      %dma_wait3A_312 = arith.constant 0 : i32
      %dma_wait3A_313 = tpu.memref_slice %arg3[%dma_wait3A_311, %dma_wait3A_312] : memref<1000000x32xf32, #tpu.memory_space<hbm>> -> memref<128x32xf32, #tpu.memory_space<hbm>>
      tpu.wait_dma2 semaphore(%arg9 : memref<!tpu.dma_semaphore, #tpu.memory_space<semaphore_mem>>) src(%dma_wait3A_313 : memref<128x32xf32, #tpu.memory_space<hbm>>) dst(%dma_wait3A_310 : memref<128x32xf32, #tpu.memory_space<vmem>>)
      %ge3A_314 = arith.constant 2 : i32
      %ge3A_315 = arith.cmpi sge, %add3A_291, %ge3A_314 : i32
      %convert_element_type3A_316 = arith.extui %ge3A_315 : i1 to i32
      %cond3A_317 = arith.constant 0 : i32
      %cond3A_318 = arith.cmpi ne, %convert_element_type3A_316, %cond3A_317 : i32
      scf.if %cond3A_318 {
        %dma_wait3A_397 = arith.constant 1 : i32
        %dma_wait3A_398 = arith.constant 0 : i32
        %dma_wait3A_399 = arith.constant 0 : i32
        %dma_wait3A_400 = arith.constant 0 : i32
        %dma_wait3A_401 = arith.constant 0 : i32
        %dma_wait3A_402 = arith.constant 0 : i32
        %dma_wait3A_403 = tpu.memref_slice %arg7[%dma_wait3A_397, %dma_wait3A_400, %dma_wait3A_401, %dma_wait3A_402] : memref<2x4x8x129xf32, #tpu.memory_space<vmem>> -> memref<1x4x8x129xf32, #tpu.memory_space<vmem>>
        %dma_wait3A_404 = tpu.memref_squeeze %dma_wait3A_403 : memref<1x4x8x129xf32, #tpu.memory_space<vmem>> -> memref<4x8x129xf32, #tpu.memory_space<vmem>>
        %dma_wait3A_405 = arith.constant 0 : i32
        %dma_wait3A_406 = arith.constant 0 : i32
        %dma_wait3A_407 = arith.constant 0 : i32
        %dma_wait3A_408 = tpu.memref_slice %dma_wait3A_404[%dma_wait3A_405, %dma_wait3A_406, %dma_wait3A_407] : memref<4x8x129xf32, #tpu.memory_space<vmem>> -> memref<4x8x128xf32, #tpu.memory_space<vmem>>
        %dma_wait3A_409 = arith.constant 0 : i32
        %dma_wait3A_410 = arith.constant 0 : i32
        %dma_wait3A_411 = arith.constant 0 : i32
        %dma_wait3A_412 = tpu.memref_slice %arg4[%dma_wait3A_398, %dma_wait3A_409, %dma_wait3A_399, %dma_wait3A_410, %dma_wait3A_411] : memref<50x4x128x8x128xf32, #tpu.memory_space<hbm>> -> memref<1x4x1x8x128xf32, #tpu.memory_space<hbm>>
        %dma_wait3A_413 = tpu.memref_squeeze %dma_wait3A_412 : memref<1x4x1x8x128xf32, #tpu.memory_space<hbm>> -> memref<4x8x128xf32, #tpu.memory_space<hbm>>
        %dma_wait3A_414 = arith.constant 0 : i32
        %dma_wait3A_415 = arith.constant 0 : i32
        %dma_wait3A_416 = arith.constant 0 : i32
        %dma_wait3A_417 = tpu.memref_slice %arg4[%dma_wait3A_398, %dma_wait3A_414, %dma_wait3A_399, %dma_wait3A_415, %dma_wait3A_416] : memref<50x4x128x8x128xf32, #tpu.memory_space<hbm>> -> memref<1x4x1x8x128xf32, #tpu.memory_space<hbm>>
        %dma_wait3A_418 = tpu.memref_squeeze %dma_wait3A_417 : memref<1x4x1x8x128xf32, #tpu.memory_space<hbm>> -> memref<4x8x128xf32, #tpu.memory_space<hbm>>
        %dma_wait3A_419 = arith.constant 0 : i32
        %dma_wait3A_420 = arith.constant 0 : i32
        %dma_wait3A_421 = arith.constant 0 : i32
        %dma_wait3A_422 = tpu.memref_slice %arg7[%dma_wait3A_397, %dma_wait3A_419, %dma_wait3A_420, %dma_wait3A_421] : memref<2x4x8x129xf32, #tpu.memory_space<vmem>> -> memref<1x4x8x129xf32, #tpu.memory_space<vmem>>
        %dma_wait3A_423 = tpu.memref_squeeze %dma_wait3A_422 : memref<1x4x8x129xf32, #tpu.memory_space<vmem>> -> memref<4x8x129xf32, #tpu.memory_space<vmem>>
        %dma_wait3A_424 = arith.constant 0 : i32
        %dma_wait3A_425 = arith.constant 0 : i32
        %dma_wait3A_426 = arith.constant 0 : i32
        %dma_wait3A_427 = tpu.memref_slice %dma_wait3A_423[%dma_wait3A_424, %dma_wait3A_425, %dma_wait3A_426] : memref<4x8x129xf32, #tpu.memory_space<vmem>> -> memref<4x8x128xf32, #tpu.memory_space<vmem>>
        tpu.wait_dma2 semaphore(%arg11 : memref<!tpu.dma_semaphore, #tpu.memory_space<semaphore_mem>>) src(%dma_wait3A_427 : memref<4x8x128xf32, #tpu.memory_space<vmem>>) dst(%dma_wait3A_418 : memref<4x8x128xf32, #tpu.memory_space<hbm>>)
      } else {
      }
      %scan3A_319 = arith.constant 0 : i32
      %scan3A_320 = arith.constant 1 : i32
      %scan3A_321 = arith.constant 1 : i32
      %scan3A_322 = arith.constant 0 : i32
      %scan3A_323 = arith.constant 128 : i32
      %scan3A_324 = arith.addi %scan3A_322, %scan3A_323 : i32
      %scan3A_325 = arith.constant 1 : i32
      scf.for %scan3A_397 = %scan3A_322 to %scan3A_324 step %scan3A_325  : i32 {
        %add3A_398 = vector.broadcast %scan3A_397 : i32 to vector<16xi32>
        %add3A_399 = arith.addi %broadcast_in_dim3A_3, %add3A_398 : vector<16xi32>
        %get3A = arith.constant 0 : i32
        %get3A_400 = arith.constant 0 : i32
        %get3A_401 = tpu.memref_slice %arg6[%scan3A_320, %get3A, %get3A_400] : memref<2x128x32xf32, #tpu.memory_space<vmem>> -> memref<1x128x32xf32, #tpu.memory_space<vmem>>
        %get3A_402 = tpu.memref_squeeze %get3A_401 : memref<1x128x32xf32, #tpu.memory_space<vmem>> -> memref<128x32xf32, #tpu.memory_space<vmem>>
        %get3A_403 = arith.index_cast %scan3A_397 : i32 to index
        %get3A_404 = arith.constant 0 : index
        %get3A_405 = tpu.vector_load %get3A_402[%get3A_403, %get3A_404] {strides = array<i32>} : memref<128x32xf32, #tpu.memory_space<vmem>>, vector<16xf32>,
        %get3A_406 = arith.constant 0 : i32
        %get3A_407 = arith.constant 0 : i32
        %get3A_408 = tpu.memref_slice %arg6[%scan3A_320, %get3A_406, %get3A_407] : memref<2x128x32xf32, #tpu.memory_space<vmem>> -> memref<1x128x32xf32, #tpu.memory_space<vmem>>
        %get3A_409 = tpu.memref_squeeze %get3A_408 : memref<1x128x32xf32, #tpu.memory_space<vmem>> -> memref<128x32xf32, #tpu.memory_space<vmem>>
        %get3A_410 = arith.index_cast %scan3A_397 : i32 to index
        %get3A_411 = arith.constant 16 : index
        %get3A_412 = tpu.vector_load %get3A_409[%get3A_410, %get3A_411] {strides = array<i32>} : memref<128x32xf32, #tpu.memory_space<vmem>>, vector<16xf32>,
        %scatter3A = arith.constant 0 : i32
        %scatter3A_413 = arith.constant 0 : i32
        %scatter3A_414 = arith.constant 0 : i32
        %scatter3A_415 = tpu.memref_slice %arg7[%scan3A_321, %scatter3A, %scatter3A_413, %scatter3A_414] : memref<2x4x8x129xf32, #tpu.memory_space<vmem>> -> memref<1x4x8x129xf32, #tpu.memory_space<vmem>>
        %scatter3A_416 = tpu.memref_squeeze %scatter3A_415 : memref<1x4x8x129xf32, #tpu.memory_space<vmem>> -> memref<4x8x129xf32, #tpu.memory_space<vmem>>
        tpu.vector_store_idx %scatter3A_416[%select_n3A, %select_n3A_46, %add3A_399], %get3A_405 : memref<4x8x129xf32, #tpu.memory_space<vmem>>[vector<16xi32>, vector<16xi32>, vector<16xi32>], vector<16xf32>,
        %scatter3A_417 = arith.constant 0 : i32
        %scatter3A_418 = arith.constant 0 : i32
        %scatter3A_419 = arith.constant 0 : i32
        %scatter3A_420 = tpu.memref_slice %arg7[%scan3A_321, %scatter3A_417, %scatter3A_418, %scatter3A_419] : memref<2x4x8x129xf32, #tpu.memory_space<vmem>> -> memref<1x4x8x129xf32, #tpu.memory_space<vmem>>
        %scatter3A_421 = tpu.memref_squeeze %scatter3A_420 : memref<1x4x8x129xf32, #tpu.memory_space<vmem>> -> memref<4x8x129xf32, #tpu.memory_space<vmem>>
        tpu.vector_store_idx %scatter3A_421[%select_n3A_80, %select_n3A_105, %add3A_399], %get3A_412 : memref<4x8x129xf32, #tpu.memory_space<vmem>>[vector<16xi32>, vector<16xi32>, vector<16xi32>], vector<16xf32>,
      }
      %scan3A_326 = arith.constant 128 : i32
      %add3A_327 = arith.addi %mul3A_2, %add3A_291 : i32
      %jit3A_328 = arith.constant 128 : i32
      %div3A_329 = arith.divsi %add3A_327, %jit3A_328 : i32
      %sign3A_330 = arith.constant 0 : i32
      %sign3A_331 = arith.cmpi sgt, %add3A_327, %sign3A_330 : i32
      %sign3A_332 = arith.extui %sign3A_331 : i1 to i32
      %sign3A_333 = arith.constant 0 : i32
      %sign3A_334 = arith.cmpi slt, %add3A_327, %sign3A_333 : i32
      %sign3A_335 = arith.extui %sign3A_334 : i1 to i32
      %sign3A_336 = arith.subi %sign3A_332, %sign3A_335 : i32
      %sign3A_337 = arith.constant 0 : i32
      %sign3A_338 = arith.cmpi sgt, %jit3A_328, %sign3A_337 : i32
      %sign3A_339 = arith.extui %sign3A_338 : i1 to i32
      %sign3A_340 = arith.constant 0 : i32
      %sign3A_341 = arith.cmpi slt, %jit3A_328, %sign3A_340 : i32
      %sign3A_342 = arith.extui %sign3A_341 : i1 to i32
      %sign3A_343 = arith.subi %sign3A_339, %sign3A_342 : i32
      %ne3A_344 = arith.cmpi ne, %sign3A_336, %sign3A_343 : i32
      %rem3A_345 = arith.remsi %add3A_327, %jit3A_328 : i32
      %ne3A_346 = arith.constant 0 : i32
      %ne3A_347 = arith.cmpi ne, %rem3A_345, %ne3A_346 : i32
      %and3A_348 = arith.andi %ne3A_344, %ne3A_347 : i1
      %sub3A_349 = arith.constant 1 : i32
      %sub3A_350 = arith.subi %div3A_329, %sub3A_349 : i32
      %select_n3A_351 = arith.select %and3A_348, %sub3A_350, %div3A_329 : i32
      %jit3A_352 = arith.constant 128 : i32
      %eq3A_353 = arith.constant 0 : i32
      %eq3A_354 = arith.cmpi eq, %jit3A_352, %eq3A_353 : i32
      %jit3A_355 = arith.constant 1 : i32
      %select_n3A_356 = arith.select %eq3A_354, %jit3A_355, %jit3A_352 : i32
      %rem3A_357 = arith.remsi %add3A_327, %select_n3A_356 : i32
      %ne3A_358 = arith.constant 0 : i32
      %ne3A_359 = arith.cmpi ne, %rem3A_357, %ne3A_358 : i32
      %lt3A_360 = arith.constant 0 : i32
      %lt3A_361 = arith.cmpi slt, %rem3A_357, %lt3A_360 : i32
      %lt3A_362 = arith.constant 0 : i32
      %lt3A_363 = arith.cmpi slt, %select_n3A_356, %lt3A_362 : i32
      %ne3A_364 = arith.xori %lt3A_361, %lt3A_363 : i1
      %and3A_365 = arith.andi %ne3A_364, %ne3A_359 : i1
      %add3A_366 = arith.addi %rem3A_357, %select_n3A_356 : i32
      %select_n3A_367 = arith.select %and3A_365, %add3A_366, %rem3A_357 : i32
      %dma_start3A_368 = arith.constant 1 : i32
      %dma_start3A_369 = arith.constant 0 : i32
      %dma_start3A_370 = arith.constant 0 : i32
      %dma_start3A_371 = arith.constant 0 : i32
      %dma_start3A_372 = tpu.memref_slice %arg7[%dma_start3A_368, %dma_start3A_369, %dma_start3A_370, %dma_start3A_371] : memref<2x4x8x129xf32, #tpu.memory_space<vmem>> -> memref<1x4x8x129xf32, #tpu.memory_space<vmem>>
      %dma_start3A_373 = tpu.memref_squeeze %dma_start3A_372 : memref<1x4x8x129xf32, #tpu.memory_space<vmem>> -> memref<4x8x129xf32, #tpu.memory_space<vmem>>
      %dma_start3A_374 = arith.constant 0 : i32
      %dma_start3A_375 = arith.constant 0 : i32
      %dma_start3A_376 = arith.constant 0 : i32
      %dma_start3A_377 = tpu.memref_slice %dma_start3A_373[%dma_start3A_374, %dma_start3A_375, %dma_start3A_376] : memref<4x8x129xf32, #tpu.memory_space<vmem>> -> memref<4x8x128xf32, #tpu.memory_space<vmem>>
      %dma_start3A_378 = arith.constant 0 : i32
      %dma_start3A_379 = arith.constant 0 : i32
      %dma_start3A_380 = arith.constant 0 : i32
      %dma_start3A_381 = tpu.memref_slice %arg4[%select_n3A_351, %dma_start3A_378, %select_n3A_367, %dma_start3A_379, %dma_start3A_380] : memref<50x4x128x8x128xf32, #tpu.memory_space<hbm>> -> memref<1x4x1x8x128xf32, #tpu.memory_space<hbm>>
      %dma_start3A_382 = tpu.memref_squeeze %dma_start3A_381 : memref<1x4x1x8x128xf32, #tpu.memory_space<hbm>> -> memref<4x8x128xf32, #tpu.memory_space<hbm>>
      %dma_start3A_383 = arith.constant 0 : i32
      %dma_start3A_384 = arith.constant 0 : i32
      %dma_start3A_385 = arith.constant 0 : i32
      %dma_start3A_386 = tpu.memref_slice %arg4[%select_n3A_351, %dma_start3A_383, %select_n3A_367, %dma_start3A_384, %dma_start3A_385] : memref<50x4x128x8x128xf32, #tpu.memory_space<hbm>> -> memref<1x4x1x8x128xf32, #tpu.memory_space<hbm>>
      %dma_start3A_387 = tpu.memref_squeeze %dma_start3A_386 : memref<1x4x1x8x128xf32, #tpu.memory_space<hbm>> -> memref<4x8x128xf32, #tpu.memory_space<hbm>>
      %dma_start3A_388 = arith.constant 0 : i32
      %dma_start3A_389 = arith.constant 0 : i32
      %dma_start3A_390 = arith.constant 0 : i32
      %dma_start3A_391 = tpu.memref_slice %arg7[%dma_start3A_368, %dma_start3A_388, %dma_start3A_389, %dma_start3A_390] : memref<2x4x8x129xf32, #tpu.memory_space<vmem>> -> memref<1x4x8x129xf32, #tpu.memory_space<vmem>>
      %dma_start3A_392 = tpu.memref_squeeze %dma_start3A_391 : memref<1x4x8x129xf32, #tpu.memory_space<vmem>> -> memref<4x8x129xf32, #tpu.memory_space<vmem>>
      %dma_start3A_393 = arith.constant 0 : i32
      %dma_start3A_394 = arith.constant 0 : i32
      %dma_start3A_395 = arith.constant 0 : i32
      %dma_start3A_396 = tpu.memref_slice %dma_start3A_392[%dma_start3A_393, %dma_start3A_394, %dma_start3A_395] : memref<4x8x129xf32, #tpu.memory_space<vmem>> -> memref<4x8x128xf32, #tpu.memory_space<vmem>>
      tpu.enqueue_dma source(%dma_start3A_396 : memref<4x8x128xf32, #tpu.memory_space<vmem>>) target(%dma_start3A_387 : memref<4x8x128xf32, #tpu.memory_space<hbm>>) target_semaphore(%arg11 : memref<!tpu.dma_semaphore, #tpu.memory_space<semaphore_mem>>)
    }
    %scan3A_121 = arith.constant 100 : i32
    %dma_wait3A = arith.constant 0 : i32
    %dma_wait3A_122 = arith.constant 0 : i32
    %dma_wait3A_123 = arith.constant 0 : i32
    %dma_wait3A_124 = arith.constant 0 : i32
    %dma_wait3A_125 = arith.constant 0 : i32
    %dma_wait3A_126 = arith.constant 0 : i32
    %dma_wait3A_127 = tpu.memref_slice %arg7[%dma_wait3A, %dma_wait3A_124, %dma_wait3A_125, %dma_wait3A_126] : memref<2x4x8x129xf32, #tpu.memory_space<vmem>> -> memref<1x4x8x129xf32, #tpu.memory_space<vmem>>
    %dma_wait3A_128 = tpu.memref_squeeze %dma_wait3A_127 : memref<1x4x8x129xf32, #tpu.memory_space<vmem>> -> memref<4x8x129xf32, #tpu.memory_space<vmem>>
    %dma_wait3A_129 = arith.constant 0 : i32
    %dma_wait3A_130 = arith.constant 0 : i32
    %dma_wait3A_131 = arith.constant 0 : i32
    %dma_wait3A_132 = tpu.memref_slice %dma_wait3A_128[%dma_wait3A_129, %dma_wait3A_130, %dma_wait3A_131] : memref<4x8x129xf32, #tpu.memory_space<vmem>> -> memref<4x8x128xf32, #tpu.memory_space<vmem>>
    %dma_wait3A_133 = arith.constant 0 : i32
    %dma_wait3A_134 = arith.constant 0 : i32
    %dma_wait3A_135 = arith.constant 0 : i32
    %dma_wait3A_136 = tpu.memref_slice %arg4[%dma_wait3A_122, %dma_wait3A_133, %dma_wait3A_123, %dma_wait3A_134, %dma_wait3A_135] : memref<50x4x128x8x128xf32, #tpu.memory_space<hbm>> -> memref<1x4x1x8x128xf32, #tpu.memory_space<hbm>>
    %dma_wait3A_137 = tpu.memref_squeeze %dma_wait3A_136 : memref<1x4x1x8x128xf32, #tpu.memory_space<hbm>> -> memref<4x8x128xf32, #tpu.memory_space<hbm>>
    %dma_wait3A_138 = arith.constant 0 : i32
    %dma_wait3A_139 = arith.constant 0 : i32
    %dma_wait3A_140 = arith.constant 0 : i32
    %dma_wait3A_141 = tpu.memref_slice %arg4[%dma_wait3A_122, %dma_wait3A_138, %dma_wait3A_123, %dma_wait3A_139, %dma_wait3A_140] : memref<50x4x128x8x128xf32, #tpu.memory_space<hbm>> -> memref<1x4x1x8x128xf32, #tpu.memory_space<hbm>>
    %dma_wait3A_142 = tpu.memref_squeeze %dma_wait3A_141 : memref<1x4x1x8x128xf32, #tpu.memory_space<hbm>> -> memref<4x8x128xf32, #tpu.memory_space<hbm>>
    %dma_wait3A_143 = arith.constant 0 : i32
    %dma_wait3A_144 = arith.constant 0 : i32
    %dma_wait3A_145 = arith.constant 0 : i32
    %dma_wait3A_146 = tpu.memref_slice %arg7[%dma_wait3A, %dma_wait3A_143, %dma_wait3A_144, %dma_wait3A_145] : memref<2x4x8x129xf32, #tpu.memory_space<vmem>> -> memref<1x4x8x129xf32, #tpu.memory_space<vmem>>
    %dma_wait3A_147 = tpu.memref_squeeze %dma_wait3A_146 : memref<1x4x8x129xf32, #tpu.memory_space<vmem>> -> memref<4x8x129xf32, #tpu.memory_space<vmem>>
    %dma_wait3A_148 = arith.constant 0 : i32
    %dma_wait3A_149 = arith.constant 0 : i32
    %dma_wait3A_150 = arith.constant 0 : i32
    %dma_wait3A_151 = tpu.memref_slice %dma_wait3A_147[%dma_wait3A_148, %dma_wait3A_149, %dma_wait3A_150] : memref<4x8x129xf32, #tpu.memory_space<vmem>> -> memref<4x8x128xf32, #tpu.memory_space<vmem>>
    tpu.wait_dma2 semaphore(%arg10 : memref<!tpu.dma_semaphore, #tpu.memory_space<semaphore_mem>>) src(%dma_wait3A_151 : memref<4x8x128xf32, #tpu.memory_space<vmem>>) dst(%dma_wait3A_142 : memref<4x8x128xf32, #tpu.memory_space<hbm>>)
    %dma_wait3A_152 = arith.constant 1 : i32
    %dma_wait3A_153 = arith.constant 0 : i32
    %dma_wait3A_154 = arith.constant 0 : i32
    %dma_wait3A_155 = arith.constant 0 : i32
    %dma_wait3A_156 = arith.constant 0 : i32
    %dma_wait3A_157 = arith.constant 0 : i32
    %dma_wait3A_158 = tpu.memref_slice %arg7[%dma_wait3A_152, %dma_wait3A_155, %dma_wait3A_156, %dma_wait3A_157] : memref<2x4x8x129xf32, #tpu.memory_space<vmem>> -> memref<1x4x8x129xf32, #tpu.memory_space<vmem>>
    %dma_wait3A_159 = tpu.memref_squeeze %dma_wait3A_158 : memref<1x4x8x129xf32, #tpu.memory_space<vmem>> -> memref<4x8x129xf32, #tpu.memory_space<vmem>>
    %dma_wait3A_160 = arith.constant 0 : i32
    %dma_wait3A_161 = arith.constant 0 : i32
    %dma_wait3A_162 = arith.constant 0 : i32
    %dma_wait3A_163 = tpu.memref_slice %dma_wait3A_159[%dma_wait3A_160, %dma_wait3A_161, %dma_wait3A_162] : memref<4x8x129xf32, #tpu.memory_space<vmem>> -> memref<4x8x128xf32, #tpu.memory_space<vmem>>
    %dma_wait3A_164 = arith.constant 0 : i32
    %dma_wait3A_165 = arith.constant 0 : i32
    %dma_wait3A_166 = arith.constant 0 : i32
    %dma_wait3A_167 = tpu.memref_slice %arg4[%dma_wait3A_153, %dma_wait3A_164, %dma_wait3A_154, %dma_wait3A_165, %dma_wait3A_166] : memref<50x4x128x8x128xf32, #tpu.memory_space<hbm>> -> memref<1x4x1x8x128xf32, #tpu.memory_space<hbm>>
    %dma_wait3A_168 = tpu.memref_squeeze %dma_wait3A_167 : memref<1x4x1x8x128xf32, #tpu.memory_space<hbm>> -> memref<4x8x128xf32, #tpu.memory_space<hbm>>
    %dma_wait3A_169 = arith.constant 0 : i32
    %dma_wait3A_170 = arith.constant 0 : i32
    %dma_wait3A_171 = arith.constant 0 : i32
    %dma_wait3A_172 = tpu.memref_slice %arg4[%dma_wait3A_153, %dma_wait3A_169, %dma_wait3A_154, %dma_wait3A_170, %dma_wait3A_171] : memref<50x4x128x8x128xf32, #tpu.memory_space<hbm>> -> memref<1x4x1x8x128xf32, #tpu.memory_space<hbm>>
    %dma_wait3A_173 = tpu.memref_squeeze %dma_wait3A_172 : memref<1x4x1x8x128xf32, #tpu.memory_space<hbm>> -> memref<4x8x128xf32, #tpu.memory_space<hbm>>
    %dma_wait3A_174 = arith.constant 0 : i32
    %dma_wait3A_175 = arith.constant 0 : i32
    %dma_wait3A_176 = arith.constant 0 : i32
    %dma_wait3A_177 = tpu.memref_slice %arg7[%dma_wait3A_152, %dma_wait3A_174, %dma_wait3A_175, %dma_wait3A_176] : memref<2x4x8x129xf32, #tpu.memory_space<vmem>> -> memref<1x4x8x129xf32, #tpu.memory_space<vmem>>
    %dma_wait3A_178 = tpu.memref_squeeze %dma_wait3A_177 : memref<1x4x8x129xf32, #tpu.memory_space<vmem>> -> memref<4x8x129xf32, #tpu.memory_space<vmem>>
    %dma_wait3A_179 = arith.constant 0 : i32
    %dma_wait3A_180 = arith.constant 0 : i32
    %dma_wait3A_181 = arith.constant 0 : i32
    %dma_wait3A_182 = tpu.memref_slice %dma_wait3A_178[%dma_wait3A_179, %dma_wait3A_180, %dma_wait3A_181] : memref<4x8x129xf32, #tpu.memory_space<vmem>> -> memref<4x8x128xf32, #tpu.memory_space<vmem>>
    tpu.wait_dma2 semaphore(%arg11 : memref<!tpu.dma_semaphore, #tpu.memory_space<semaphore_mem>>) src(%dma_wait3A_182 : memref<4x8x128xf32, #tpu.memory_space<vmem>>) dst(%dma_wait3A_173 : memref<4x8x128xf32, #tpu.memory_space<hbm>>)
    return
  }
}

</mosaic_0001>

<sc_bundles>
// kernel: kernel.3.cloned.1.call-start
scs
__scs_entry_jumppad:
0x0: {  	(pc) =	sbr.rel $0x88, $3  }
0x1: {  	(tag) =	ssettag $0x0;
	lr =	simm.s32 $0x1  }
0x2: {  	[smem:$0x3F9F] =	sst lr;
	_ =	strace $0xD0000000  }
0x3: {  	_ = 	snop  }
0x4: {  	_ = 	snop  }
0x5: {  	_ = 	snop  }
0x6: {  	_ = 	snop  }
0x7: {  	_ = 	snop  }
__scs_overlays_trampoline_lowered:
0x8: {  	[smem:$0x3FAE] =	sst s0  }
0x9: {  	[smem:$0x3FAF] =	sst s1  }
0xa: {  	[smem:$0x3FB0] =	sst s2  }
0xb: {  	[smem:$0x3FB1] =	sst s3  }
0xc: {  	[smem:$0x3FB2] =	sst s4  }
0xd: {  	[smem:$0x3FB3] =	sst s5  }
0xe: {  	[smem:$0x3FB4] =	sst s6  }
0xf: {  	[smem:$0x3FB5] =	sst s7  }
0x10: {  	[smem:$0x3FB6] =	sst s8  }
0x11: {  	[smem:$0x3FB7] =	sst s9;
	s0 =	simm.s32 @!p0 $0x0  }
0x12: {  	s1 =	sld [smem:$0x3F9D];
	s0 =	simm.s32 @p0 $0x1  }
0x13: {  	[smem:$0x3FB8] =	sst s0;
	s0 =	simm.s32 @!p1 $0x0  }
0x14: {  	s2 =	sld [smem:$0x3F9C];
	s0 =	simm.s32 @p1 $0x1  }
0x15: {  	[smem:$0x3FB9] =	sst s0;
	s0 =	simm.s32 @!p2 $0x0  }
0x16: {  	s3 =	sld [smem:$0x3FDB];
	s0 =	simm.s32 @p2 $0x1  }
0x17: {  	s4 =	simm.s32 $0x1BF5;
	[smem:$0x3FBB] =	sst s0  }
0x18: {  	s0 =	sld [smem:$0x3F9E];
	_ =	swait.ge [sflag:s4], $0x0  }
0x19: {  	s7 =	sld [smem:$0x3F9F]  }
0x1a: {  	s8 =	sadd.s32 $0xFFFFE003, lr  }
0x1b: {  	s9 =	sadd.s32 $0xFFFFFEF7, lr;
	s5 =	simm.s32 $0xFFFFFFFF;
	p2 =	slt.u32 s8, $0xFFFFF086  }
0x1c: {  	p1 =	slt.u32 s9, $0xF7A;
	s5 =	simm.s32 @!p2 $0x0  }
0x1d: {  	s5 =	simm.s32 @p1 $0x1;
	p0 =	seq.s32 s7, s2  }
0x1e: {  	s7 =	smul.u32 @!p0 $0xF7A, s2;
	p2 =	seq.s32 @!p0 s5, $0x0  }
0x1f: {  	s9 =	smul.u32 $0xF7A, s1;
	s8 =	simm.s32 @!p0 $0x1BF5;
	p2 =	por !p2, p0  }
0x20: {  	[sflag:s8] =	ssyncset.s32 @!p0 $0xFFFFF086;
	s6 =	sadd.s32 @!p0 s3, s7;
	s7 =	simm.s32 @!p0 $0x108  }
0x21: {  	s3 =	sadd.s32 s3, s9;
	s6 =	sadd.s32 @!p0 $0x88, s6;
	s7 =	simm.s32 @p2 $0x1082  }
0x22: {  	[simem:s7], [sflag:s8] =	dma.local @!p0 [hbm:s6], $0xF7A  }
0x23: {  	s9 =	sor.u32 $0xD0000000, s2;
	s6 =	simm.s32 $0x108;
	_ =	swait.ge @!p0 [sflag:s8], $0x0  }
0x24: {  	s3 =	sadd.s32 $0x88, s3;
	s6 =	simm.s32 @!p1 $0x1082;
	[sflag:s4] =	ssyncset.s32 $0xFFFFF086  }
0x25: {  	[simem:s6], [sflag:s4] =	dma.local [hbm:s3], $0xF7A  }
0x26: {  	[smem:$0x3F9F] =	sst s1;
	(tag) =	ssettag s2;
	_ =	strace s9  }
0x27: {  	s1 =	sld [smem:$0x3FAF]  }
0x28: {  	s2 =	sld [smem:$0x3FB0]  }
0x29: {  	s4 =	sld [smem:$0x3FB2]  }
0x2a: {  	p0 =	seq.s32 s5, $0x0;
	s5 =	sld [smem:$0x3FB3]  }
0x2b: {  	s6 =	sld [smem:$0x3FB4]  }
0x2c: {  	s7 =	sld [smem:$0x3FB5]  }
0x2d: {  	s3 =	simm.s32 $0x108;
	s8 =	sld [smem:$0x3FB6]  }
0x2e: {  	s3 =	simm.s32 @!p0 $0x1082;
	s9 =	sld [smem:$0x3FB7]  }
0x2f: {  	lr =	sadd.s32 s0, s3;
	s0 =	sld [smem:$0x3FAE]  }
0x30: {  	s3 =	sld [smem:$0x3FB1]  }
0x31: {  	[smem:$0x3FBA] =	sst s10  }
0x32: {  	s10 =	sld [smem:$0x3FB8];
	_ =	sdelay $0x3  }
0x33: {  	p0 =	seq.s32 s10, $0x1;
	s10 =	sld [smem:$0x3FBA];
	_ =	sdelay $0x3  }
0x34: {  	[smem:$0x3FBA] =	sst s10  }
0x35: {  	s10 =	sld [smem:$0x3FB9];
	_ =	sdelay $0x3  }
0x36: {  	p1 =	seq.s32 s10, $0x1;
	s10 =	sld [smem:$0x3FBA];
	_ =	sdelay $0x3  }
0x37: {  	[smem:$0x3FBA] =	sst s10  }
0x38: {  	s10 =	sld [smem:$0x3FBB]  }
0x39: {  	_ = 	snop;
	(pc) =	sbr.ind lr, $3  }
0x3a: {  	_ = 	snop  }
0x3b: {  	_ = 	snop  }
0x3c: {  	p2 =	seq.s32 s10, $0x1;
	s10 =	sld [smem:$0x3FBA]  }
0x3d: {  	_ =	shalt  }
0x3e: {  	_ =	shalt  }
0x3f: {  	_ =	shalt  }
0x40: {  	_ =	shalt  }
0x41: {  	_ =	shalt  }
0x42: {  	_ =	shalt  }
0x43: {  	_ =	shalt  }
0x44: {  	_ =	shalt  }
0x45: {  	_ =	shalt  }
0x46: {  	_ =	shalt  }
0x47: {  	_ =	shalt  }
0x48: {  	_ =	shalt  }
0x49: {  	_ =	shalt  }
0x4a: {  	_ =	shalt  }
0x4b: {  	_ =	shalt  }
0x4c: {  	_ =	shalt  }
0x4d: {  	_ =	shalt  }
0x4e: {  	_ =	shalt  }
0x4f: {  	_ =	shalt  }
0x50: {  	_ =	shalt  }
0x51: {  	_ =	shalt  }
0x52: {  	_ =	shalt  }
0x53: {  	_ =	shalt  }
0x54: {  	_ =	shalt  }
0x55: {  	_ =	shalt  }
0x56: {  	_ =	shalt  }
0x57: {  	_ =	shalt  }
0x58: {  	_ =	shalt  }
0x59: {  	_ =	shalt  }
0x5a: {  	_ =	shalt  }
0x5b: {  	_ =	shalt  }
0x5c: {  	_ =	shalt  }
0x5d: {  	_ =	shalt  }
0x5e: {  	_ =	shalt  }
0x5f: {  	_ =	shalt  }
0x60: {  	_ =	shalt  }
0x61: {  	_ =	shalt  }
0x62: {  	_ =	shalt  }
0x63: {  	_ =	shalt  }
0x64: {  	_ =	shalt  }
0x65: {  	_ =	shalt  }
0x66: {  	_ =	shalt  }
0x67: {  	_ =	shalt  }
0x68: {  	_ =	shalt  }
0x69: {  	_ =	shalt  }
0x6a: {  	_ =	shalt  }
0x6b: {  	_ =	shalt  }
0x6c: {  	_ =	shalt  }
0x6d: {  	_ =	shalt  }
0x6e: {  	_ =	shalt  }
0x6f: {  	_ =	shalt  }
0x70: {  	_ =	shalt  }
0x71: {  	_ =	shalt  }
0x72: {  	_ =	shalt  }
0x73: {  	_ =	shalt  }
0x74: {  	_ =	shalt  }
0x75: {  	_ =	shalt  }
0x76: {  	_ =	shalt  }
0x77: {  	_ =	shalt  }
0x78: {  	_ =	shalt  }
0x79: {  	_ =	shalt  }
0x7a: {  	_ =	shalt  }
0x7b: {  	_ =	shalt  }
0x7c: {  	_ =	shalt  }
0x7d: {  	_ =	shalt  }
0x7e: {  	_ =	shalt  }
0x7f: {  	_ =	shalt  }
0x80: {  	_ =	shalt  }
0x81: {  	_ =	shalt  }
0x82: {  	_ =	shalt  }
0x83: {  	_ =	shalt  }
0x84: {  	_ =	shalt  }
0x85: {  	_ =	shalt  }
0x86: {  	_ =	shalt  }
0x87: {  	_ =	shalt  }
.Lfunc_end0:
.L_simem_size_0:
called_computation_lowered:
.L_overlay_start_0:
0x88: {  	s2 =	sld [smem:$0x3FD9]  }
0x89: {  	s3 =	sld [smem:$0x3FFE];
	_ =	sdelay $0x1  }
0x8a: {  	s1 =	srdreg.scid  }
0x8b: {  	s0 =	sand.u32 $0x1, s1  }
0x8c: {  	s17 =	sshll.u32 s0, $0xA;
	s2 =	sadd.s32 s3, s2  }
0x8d: {  	s2 =	sadd.s32 s2, s17  }
0x8e: {  	[smem:$0x3FC6] =	sst s2  }
0x8f: {  	_ = 	snop  }
0x90: {  	s2 =	sld [smem:$0x3FD0];
	(tm) =	ssettm $0x1  }
0x91: {  	s18 =	sld [smem:$0x3FFB];
	_ =	sdelay $0x3  }
0x92: {  	_ =	strace s18  }
0x93: {  	s3 =	sld [smem:$0x3FFC];
	_ =	sdelay $0x3  }
0x94: {  	_ =	strace s3  }
0x95: {  	s3 =	sld [smem:$0x3FFD];
	_ =	sdelay $0x3  }
0x96: {  	_ =	strace s3  }
0x97: {  	_ =	strace $0x8FFFFFFF  }
0x98: {  	s19 =	sld [smem:$0x3FDB];
	_ =	sdelay $0x1  }
0x99: {  	s4 =	simm.s32 $_scs_section_size  }
0x9a: {  	s5 =	simm.s32 $_size__tile_overlayer_lowered;
	s6 =	simm.s32 $_tile_overlayer_lowered  }
0x9b: {  	s22 =	simm.s32 $0x1BFF;
	s21 =	sshll.u32 s6, $0x1;
	s3 =	sadd.s32 s4, s19  }
0x9c: {  	s7 =	simm.s32 $0x0;
	s20 =	sshll.u32 s5, $0x1;
	s5 =	sadd.s32 s21, s3  }
0x9d: {  	[timem:s7], [sflag:s22] =	dma.local [hbm:s5], s20  }
0x9e: {  	_ =	swait.ge [sflag:s22], s20  }
0x9f: {  	s4 =	ssub.s32 $0x0, s20;
	[sflag:s22] =	ssyncset.done $0x0  }
0xa0: {  	[sflag:s22] =	ssyncadd.s32 s4;
	_ =	sdelay $0x1  }
0xa1: {  	s23 =	simm.s32 $0x1B8B  }
0xa2: {  	_ =	swait.ge [sflag:s23], $0x1  }
0xa3: {  	[sflag:s23] =	ssyncset.done $0x0  }
0xa4: {  	s25 =	simm.s32 $0x1B8E;
	s24 =	sld [smem:$0x3FFE];
	[sflag:s23] =	ssyncadd.s32 $0xFFFFFFFF  }
0xa5: {  	s26 =	simm.s32 $execute0_lowered;
	[smem:$0x3FD2] =	sst s25  }
0xa6: {  	s5 =	sshll.u32 s26, $0x1;
	_ =	strace $0x80000046;
	[dreg:$0x1] =	wrdreg $0xFFFFFFFF  }
0xa7: {  	s28 =	simm.s32 $_size_execute0_lowered;
	s3 =	sadd.s32 s3, s5;
	[dreg:$0x0] =	wrdreg $0x0  }
0xa8: {  	s5 =	sshll.u32 s28, $0x1;
	[dreg:$0x2] =	wrdreg s3  }
0xa9: {  	[dreg:$0x3] =	wrdreg s5  }
0xaa: {  	[dreg:$0x4] =	wrdreg $0xC0  }
0xab: {  	_ =	task [dreg:s7], $0x5FFFF  }
0xac: {  	[dreg:$0x1] =	wrdreg $0xFFFFFFFF  }
0xad: {  	[dreg:$0x0] =	wrdreg $0x60  }
0xae: {  	[dreg:$0x2] =	wrdreg s24  }
0xaf: {  	[dreg:$0x3] =	wrdreg s2  }
0xb0: {  	[dreg:$0x4] =	wrdreg $0x9  }
0xb1: {  	_ =	task.clear_ibuf [dreg:s7], $0x5FFFF;
	_ =	strace $0x90000046  }
0xb2: {  	s29 =	simm.s32 $0x9;
	_ =	strace $0x80000048  }
0xb3: {  	_ =	swait.ge [sflag:s29], $0x1  }
0xb4: {  	[sflag:s29] =	ssyncadd.s32 $0xFFFFFFFF  }
0xb5: {  	_ =	strace $0x90000048  }
0xb6: {  	_ =	sfence  }
0xb7: {  	s30 =	sld [smem:$0x0];
	_ =	sdelay $0x2  }
0xb8: {  	s31 =	sshll.u32 s1, $0xD;
	s1 =	sshrl.u32 s1, $0x2  }
0xb9: {  	s3 =	sand.u32 $0x4000, s31;
	s1 =	sadd.s32 s1, s30  }
0xba: {  	s0 =	sor.u32 s3, s0;
	s1 =	sshll.u32 s1, $0x11  }
0xbb: {  	s0 =	sor.u32 s1, s0  }
0xbc: {  	s0 =	sadd.s32 $0x8F2B, s0  }
0xbd: {  	[sflag:s0] =	ssyncadd.remote.s32 $0x1  }
0xbe: {  	_ =	sfence.sel $0xFFFF  }
0xbf: {  	[dreg:$0x0] =	wrdreg $0xFFFFFFFF;
	(pc) =	sbr.abs _section_cstart, $3  }
0xc0: {  	[dreg:$0x1] =	wrdreg $0xFFFFFFFF  }
0xc1: {  	_ =	task.clear_ibuf [dreg:s7], $0x2FFFF;
	_ =	strace $0x9FFFFFFF  }
0xc2: {  	(tm) =	ssettm $0x7FFFFFFF  }
0xc3: {  	_ =	shalt  }
tec
execute0_lowered:
.L_overlay_start_1:
0x0: {  	(tag) =	ssettag $0x1  }
0x1: {  	s0 =	srdreg.scid;
	s2 =	stileid.u32  }
0x2: {  	s1 =	rddreg [dreg:$0x0];
	s9 =	simm.s32 $0x80;
	s12 =	simm.s32 $0x1  }
0x3: {  	s13 =	simm.s32 $0x8400;
	s21 =	simm.s32 $0x2;
	s22 =	simm.s32 $0x4  }
0x4: {  	s23 =	simm.s32 $0x9500;
	s15 =	simm.s32 $0x9D80;
	s16 =	simm.s32 $0x9E08  }
0x5: {  	s17 =	simm.s32 $0x9E90;
	s18 =	simm.s32 $0x9F18;
	s19 =	simm.s32 $0x9FA0  }
0x6: {  	s20 =	simm.s32 $0xA028;
	s24 =	simm.s32 $0xA0B0;
	s25 =	simm.s32 $0xA138  }
0x7: {  	s28 =	simm.s32 $0xA248;
	s29 =	simm.s32 $0xA2D0;
	s30 =	simm.s32 $0xA358  }
0x8: {  	s31 =	simm.s32 $0xA3E0;
	s0 =	sand.u32 $0x1, s0;
	s3 =	sshll.u32 s2, $0x1  }
0x9: {  	s8 =	simm.s32 $0x0;
	s5 =	sor.u32 s0, s3;
	s3 =	simm.s32 $0x0  }
0xa: {  	s0 =	ssub.s32 $0x2, s0;
	s4 =	smul.u32 $0xC80, s5;
	[smem:$0x7FF] =	sst s3  }
0xb: {  	s2 =	rddreg [dreg:$0x1];
	s7 =	sshrl.u32 s0, $0x1;
	_ =	strace $0x80000047  }
0xc: {  	v0 =	vlaneseq.u32;
	s0 =	ssub.s32 s0, s7;
	s6 =	sadd.s32 s4, s1;
	s4 =	sadd.s32 $0xF42A00, s1  }
0xd: {  	v0 =	vmul.u32 $0x88, v0;
	s0 =	smax.u32 s0, $0x1;
	s1 =	simm.s32 $0xA468;
	s26 =	sadd.s32 $0x600, s6  }
0xe: {  	s6 =	smul.u32 $0xC8, s5;
	[dreg:$0x4] =	wrdreg s0;
	s0 =	simm.s32 $0xA4F0  }
0xf: {  	v1 =	vadd.s32 $0x880, v0;
	s5 =	simm.s32 $0xA578;
	[dreg:$0x3] =	wrdreg s26;
	s26 =	simm.s32 $0xA1C0  }
.LBB2_1:
0x10: {  	[dreg:$0x5] =	wrdreg s8  }
0x11: {  	s7 =	rddreg [dreg:$0x3];
	s11 =	simm.s32 $0x5  }
0x12: {  	[tilespmem:s3], [sflag:$0x5] =	stream.linear.gather [hbm4b:s7+s3], $0x6400, $0x38;
	[tilespmem:$0xA600] =	vst v63  }
0x13: {  	_ =	swait.ge [sflag:s11], $0x6400  }
0x14: {  	[sflag:s11] =	ssyncset.done $0x0  }
0x15: {  	s14 =	simm.s32 $0x6400;
	s7 =	simm.s32 $0x0;
	[sflag:s11] =	ssyncadd.s32 $0xFFFF9C00  }
0x16: {  	[tilespmem:s14], [sflag:$0x1] =	stream.indirect.gather [hbm4b:s4+s9], $0x20, s3, s9, $0xb8;
	[tilespmem:$0xA600] =	vst v63  }
.LBB2_2:
0x17: {  	s8 =	sshllo.u32 s7, $0x1  }
0x18: {  	s10 =	sshll.u32 s8, $0x7  }
0x19: {  	s11 =	simm.s32 $0x7400;
	s10 =	sand.u32 $0x3FFFFF80, s10  }
0x1a: {  	[tilespmem:s11], [sflag:$0x2] =	stream.indirect.gather [hbm4b:s4+s9], $0x20, s10, s9, $0xb8;
	[tilespmem:$0xA600] =	vst v63  }
0x1b: {  	_ =	swait.ge [sflag:s12], $0x1000  }
0x1c: {  	p0 =	seq.s32 s7, $0x0;
	[sflag:s12] =	ssyncset.done $0x0  }
0x1d: {  	s11 =	simm.s32 @!p0 $0x3;
	[sflag:s12] =	ssyncadd.s32 $0xFFFFF000  }
0x1e: {  	s14 =	simm.s32 $0x0;
	_ =	swait.ge @!p0 [sflag:s11], $0x1000  }
0x1f: {  	v2 =	vmov s14;
	s14 =	simm.s32 $0x1;
	[sflag:s11] =	ssyncset.done @!p0 $0x0  }
0x20: {  	v2 =	vand.u32 $0x7F, v2;
	s10 =	sshll.u32 s7, $0x1;
	[sflag:s11] =	ssyncadd.s32 @!p0 $0xFFFFF000;
	s11 =	simm.s32 $0x6410  }
.LBB2_3:
0x21: {  	p1 =	sne.s32 s14, $0x7F;
	v3 =	vld [tilespmem:s11+$0xFFFFFFF0];
	v4 =	vadd.s32 v0, v2  }
0x22: {  	v6 =	vadd.s32 v1, v2;
	v5 =	vld [tilespmem:s11+$0x0]  }
.Ltmp0:
0x23: {  	(pc) =	sbr.rel @p1 .LBB2_3-.Ltmp0, $3  }
0x24: {  	_ =	sdelay $0x1  }
0x25: {  	v2 =	vmov s14;
	[tilespmem:v4+s13+$0x0] =	vst.idx.msk $0xffff, v3  }
0x26: {  	s14 =	sadd.s32 $0x1, s14;
	v2 =	vand.u32 $0x7F, v2;
	s11 =	sadd.s32 $0x20, s11;
	[tilespmem:v6+s13+$0x0] =	vst.idx.msk $0xffff, v5  }
0x27: {  	v3 =	vld [tilespmem:s11+$0xFFFFFFF0];
	v4 =	vadd.s32 v0, v2  }
0x28: {  	v5 =	vld [tilespmem:s11+$0x0];
	v2 =	vadd.s32 v1, v2  }
0x29: {  	s10 =	sadd.s32 s6, s10  }
0x2a: {  	s14 =	sshll.u32 s10, $0x7  }
0x2b: {  	s10 =	sshll.u32 s10, $0x9;
	s11 =	sand.u32 $0x3F00, s14  }
0x2c: {  	s10 =	sand.u32 $0xFFF0000, s10;
	s11 =	sadd.s32 s2, s11;
	[tilespmem:v4+s13+$0x0] =	vst.idx.msk $0xffff, v3  }
0x2d: {  	s10 =	sadd.s32 s10, s11;
	[tilespmem:v2+s13+$0x0] =	vst.idx.msk $0xffff, v5  }
0x2e: {  	[hbm4b:s10+s3] =	stream.linear.scatter [tilespmem:s13], [sflag:$0x3], $0x80, $0x38;
	[tilespmem:$0xA600] =	vst v63  }
0x2f: {  	s14 =	simm.s32 $0x8488;
	s11 =	sadd.s32 $0x10, s10  }
0x30: {  	[hbm4b:s11+s3] =	stream.linear.scatter [tilespmem:s14], [sflag:$0x3], $0x80, $0x38;
	[tilespmem:$0xA600] =	vst v63  }
0x31: {  	s11 =	sadd.s32 $0x20, s10;
	s14 =	simm.s32 $0x8510  }
0x32: {  	[hbm4b:s11+s3] =	stream.linear.scatter [tilespmem:s14], [sflag:$0x3], $0x80, $0x38;
	[tilespmem:$0xA600] =	vst v63  }
0x33: {  	s11 =	sadd.s32 $0x30, s10;
	s14 =	simm.s32 $0x8598  }
0x34: {  	[hbm4b:s11+s3] =	stream.linear.scatter [tilespmem:s14], [sflag:$0x3], $0x80, $0x38;
	[tilespmem:$0xA600] =	vst v63  }
0x35: {  	s11 =	sadd.s32 $0x40, s10;
	s14 =	simm.s32 $0x8620  }
0x36: {  	[hbm4b:s11+s3] =	stream.linear.scatter [tilespmem:s14], [sflag:$0x3], $0x80, $0x38;
	[tilespmem:$0xA600] =	vst v63  }
0x37: {  	s11 =	sadd.s32 $0x50, s10;
	s14 =	simm.s32 $0x86A8  }
0x38: {  	[hbm4b:s11+s3] =	stream.linear.scatter [tilespmem:s14], [sflag:$0x3], $0x80, $0x38;
	[tilespmem:$0xA600] =	vst v63  }
0x39: {  	s11 =	sadd.s32 $0x60, s10;
	s14 =	simm.s32 $0x8730  }
0x3a: {  	[hbm4b:s11+s3] =	stream.linear.scatter [tilespmem:s14], [sflag:$0x3], $0x80, $0x38;
	[tilespmem:$0xA600] =	vst v63  }
0x3b: {  	s11 =	sadd.s32 $0x70, s10;
	s14 =	simm.s32 $0x87B8  }
0x3c: {  	[hbm4b:s11+s3] =	stream.linear.scatter [tilespmem:s14], [sflag:$0x3], $0x80, $0x38;
	[tilespmem:$0xA600] =	vst v63  }
0x3d: {  	s11 =	sadd.s32 $0x4000, s10;
	s14 =	simm.s32 $0x8840  }
0x3e: {  	[hbm4b:s11+s3] =	stream.linear.scatter [tilespmem:s14], [sflag:$0x3], $0x80, $0x38;
	[tilespmem:$0xA600] =	vst v63  }
0x3f: {  	s11 =	sadd.s32 $0x4010, s10;
	s14 =	simm.s32 $0x88C8  }
0x40: {  	[hbm4b:s11+s3] =	stream.linear.scatter [tilespmem:s14], [sflag:$0x3], $0x80, $0x38;
	[tilespmem:$0xA600] =	vst v63  }
0x41: {  	s11 =	sadd.s32 $0x4020, s10;
	s14 =	simm.s32 $0x8950  }
0x42: {  	[hbm4b:s11+s3] =	stream.linear.scatter [tilespmem:s14], [sflag:$0x3], $0x80, $0x38;
	[tilespmem:$0xA600] =	vst v63  }
0x43: {  	s11 =	sadd.s32 $0x4030, s10;
	s14 =	simm.s32 $0x89D8  }
0x44: {  	[hbm4b:s11+s3] =	stream.linear.scatter [tilespmem:s14], [sflag:$0x3], $0x80, $0x38;
	[tilespmem:$0xA600] =	vst v63  }
0x45: {  	s11 =	sadd.s32 $0x4040, s10;
	s14 =	simm.s32 $0x8A60  }
0x46: {  	[hbm4b:s11+s3] =	stream.linear.scatter [tilespmem:s14], [sflag:$0x3], $0x80, $0x38;
	[tilespmem:$0xA600] =	vst v63  }
0x47: {  	s11 =	sadd.s32 $0x4050, s10;
	s14 =	simm.s32 $0x8AE8  }
0x48: {  	[hbm4b:s11+s3] =	stream.linear.scatter [tilespmem:s14], [sflag:$0x3], $0x80, $0x38;
	[tilespmem:$0xA600] =	vst v63  }
0x49: {  	s11 =	sadd.s32 $0x4060, s10;
	s14 =	simm.s32 $0x8B70  }
0x4a: {  	[hbm4b:s11+s3] =	stream.linear.scatter [tilespmem:s14], [sflag:$0x3], $0x80, $0x38;
	[tilespmem:$0xA600] =	vst v63  }
0x4b: {  	s11 =	sadd.s32 $0x4070, s10;
	s14 =	simm.s32 $0x8BF8  }
0x4c: {  	[hbm4b:s11+s3] =	stream.linear.scatter [tilespmem:s14], [sflag:$0x3], $0x80, $0x38;
	[tilespmem:$0xA600] =	vst v63  }
0x4d: {  	s11 =	sadd.s32 $0x8000, s10;
	s14 =	simm.s32 $0x8C80  }
0x4e: {  	[hbm4b:s11+s3] =	stream.linear.scatter [tilespmem:s14], [sflag:$0x3], $0x80, $0x38;
	[tilespmem:$0xA600] =	vst v63  }
0x4f: {  	s11 =	sadd.s32 $0x8010, s10;
	s14 =	simm.s32 $0x8D08  }
0x50: {  	[hbm4b:s11+s3] =	stream.linear.scatter [tilespmem:s14], [sflag:$0x3], $0x80, $0x38;
	[tilespmem:$0xA600] =	vst v63  }
0x51: {  	s11 =	sadd.s32 $0x8020, s10;
	s14 =	simm.s32 $0x8D90  }
0x52: {  	[hbm4b:s11+s3] =	stream.linear.scatter [tilespmem:s14], [sflag:$0x3], $0x80, $0x38;
	[tilespmem:$0xA600] =	vst v63  }
0x53: {  	s11 =	sadd.s32 $0x8030, s10;
	s14 =	simm.s32 $0x8E18  }
0x54: {  	[hbm4b:s11+s3] =	stream.linear.scatter [tilespmem:s14], [sflag:$0x3], $0x80, $0x38;
	[tilespmem:$0xA600] =	vst v63  }
0x55: {  	s11 =	sadd.s32 $0x8040, s10;
	s14 =	simm.s32 $0x8EA0  }
0x56: {  	[hbm4b:s11+s3] =	stream.linear.scatter [tilespmem:s14], [sflag:$0x3], $0x80, $0x38;
	[tilespmem:$0xA600] =	vst v63  }
0x57: {  	s11 =	sadd.s32 $0x8050, s10;
	s14 =	simm.s32 $0x8F28  }
0x58: {  	[hbm4b:s11+s3] =	stream.linear.scatter [tilespmem:s14], [sflag:$0x3], $0x80, $0x38;
	[tilespmem:$0xA600] =	vst v63  }
0x59: {  	s11 =	sadd.s32 $0x8060, s10;
	s14 =	simm.s32 $0x8FB0  }
0x5a: {  	[hbm4b:s11+s3] =	stream.linear.scatter [tilespmem:s14], [sflag:$0x3], $0x80, $0x38;
	[tilespmem:$0xA600] =	vst v63  }
0x5b: {  	s11 =	sadd.s32 $0x8070, s10;
	s14 =	simm.s32 $0x9038  }
0x5c: {  	[hbm4b:s11+s3] =	stream.linear.scatter [tilespmem:s14], [sflag:$0x3], $0x80, $0x38;
	[tilespmem:$0xA600] =	vst v63  }
0x5d: {  	s11 =	sadd.s32 $0xC000, s10;
	s14 =	simm.s32 $0x90C0  }
0x5e: {  	[hbm4b:s11+s3] =	stream.linear.scatter [tilespmem:s14], [sflag:$0x3], $0x80, $0x38;
	[tilespmem:$0xA600] =	vst v63  }
0x5f: {  	s11 =	sadd.s32 $0xC010, s10;
	s14 =	simm.s32 $0x9148  }
0x60: {  	[hbm4b:s11+s3] =	stream.linear.scatter [tilespmem:s14], [sflag:$0x3], $0x80, $0x38;
	[tilespmem:$0xA600] =	vst v63  }
0x61: {  	s11 =	sadd.s32 $0xC020, s10;
	s14 =	simm.s32 $0x91D0  }
0x62: {  	[hbm4b:s11+s3] =	stream.linear.scatter [tilespmem:s14], [sflag:$0x3], $0x80, $0x38;
	[tilespmem:$0xA600] =	vst v63  }
0x63: {  	s11 =	sadd.s32 $0xC030, s10;
	s14 =	simm.s32 $0x9258  }
0x64: {  	[hbm4b:s11+s3] =	stream.linear.scatter [tilespmem:s14], [sflag:$0x3], $0x80, $0x38;
	[tilespmem:$0xA600] =	vst v63  }
0x65: {  	s11 =	sadd.s32 $0xC040, s10;
	s14 =	simm.s32 $0x92E0  }
0x66: {  	[hbm4b:s11+s3] =	stream.linear.scatter [tilespmem:s14], [sflag:$0x3], $0x80, $0x38;
	[tilespmem:$0xA600] =	vst v63  }
0x67: {  	p1 =	sne.s32 s7, $0x63;
	s11 =	sadd.s32 $0xC050, s10;
	s14 =	simm.s32 $0x9368  }
0x68: {  	[hbm4b:s11+s3] =	stream.linear.scatter [tilespmem:s14], [sflag:$0x3], $0x80, $0x38;
	[tilespmem:$0xA600] =	vst v63  }
.Ltmp1:
0x69: {  	_ = 	snop;
	(pc) =	sbr.rel @p1 .LBB2_6-.Ltmp1, $4  }
0x6a: {  	s11 =	sadd.s32 $0xC060, s10;
	s14 =	simm.s32 $0x93F0  }
0x6b: {  	[hbm4b:s11+s3] =	stream.linear.scatter [tilespmem:s14], [sflag:$0x3], $0x80, $0x38;
	[tilespmem:$0xA600] =	vst v63  }
0x6c: {  	s10 =	sadd.s32 $0xC070, s10;
	s14 =	simm.s32 $0x9478  }
0x6d: {  	[hbm4b:s10+s3] =	stream.linear.scatter [tilespmem:s14], [sflag:$0x3], $0x80, $0x38;
	[tilespmem:$0xA600] =	vst v63  }
.Ltmp2:
0x6e: {  	(pc) =	sbr.rel .LBB2_7-.Ltmp2, $4  }
0x6f: {  	_ = 	snop  }
0x70: {  	_ =	swait.ge [sflag:s21], $0x1000  }
0x71: {  	[sflag:s21] =	ssyncset.done $0x0  }
0x72: {  	[sflag:s21] =	ssyncadd.s32 $0xFFFFF000  }
.LBB2_6:
0x73: {  	s10 =	sshll.u32 s7, $0x8  }
0x74: {  	s10 =	sand.u32 $0x3FFFFF00, s10  }
.Ltmp3:
0x75: {  	s11 =	simm.s32 $0x6400;
	s10 =	sadd.s32 $0x100, s10;
	(pc) =	sbr.rel @p0 .LBB2_8-.Ltmp3, $4  }
0x76: {  	[tilespmem:s11], [sflag:$0x1] =	stream.indirect.gather [hbm4b:s4+s9], $0x20, s10, s9, $0xb8;
	[tilespmem:$0xA600] =	vst v63  }
0x77: {  	_ =	swait.ge [sflag:s21], $0x1000  }
0x78: {  	[sflag:s21] =	ssyncset.done $0x0  }
0x79: {  	[sflag:s21] =	ssyncadd.s32 $0xFFFFF000  }
.LBB2_7:
0x7a: {  	_ =	swait.ge [sflag:s22], $0x1000  }
0x7b: {  	[sflag:s22] =	ssyncset.done $0x0  }
0x7c: {  	[sflag:s22] =	ssyncadd.s32 $0xFFFFF000  }
.LBB2_8:
0x7d: {  	s10 =	simm.s32 $0x0  }
0x7e: {  	v2 =	vmov s10  }
0x7f: {  	s11 =	simm.s32 $0x1;
	s10 =	simm.s32 $0x7410;
	v2 =	vand.u32 $0x7F, v2  }
.LBB2_9:
0x80: {  	p0 =	sne.s32 s11, $0x7F;
	v3 =	vld [tilespmem:s10+$0xFFFFFFF0];
	v4 =	vadd.s32 v0, v2  }
0x81: {  	v6 =	vadd.s32 v1, v2;
	v5 =	vld [tilespmem:s10+$0x0]  }
.Ltmp4:
0x82: {  	(pc) =	sbr.rel @p0 .LBB2_9-.Ltmp4, $3  }
0x83: {  	_ =	sdelay $0x1  }
0x84: {  	v2 =	vmov s11;
	[tilespmem:v4+s23+$0x0] =	vst.idx.msk $0xffff, v3  }
0x85: {  	s11 =	sadd.s32 $0x1, s11;
	v2 =	vand.u32 $0x7F, v2;
	s10 =	sadd.s32 $0x20, s10;
	[tilespmem:v6+s23+$0x0] =	vst.idx.msk $0xffff, v5  }
0x86: {  	v3 =	vld [tilespmem:s10+$0xFFFFFFF0];
	v4 =	vadd.s32 v0, v2  }
0x87: {  	v5 =	vld [tilespmem:s10+$0x0];
	v2 =	vadd.s32 v1, v2  }
0x88: {  	s8 =	sadd.s32 s6, s8  }
0x89: {  	s14 =	sshll.u32 s8, $0x7  }
0x8a: {  	s8 =	sshll.u32 s8, $0x9;
	s10 =	sand.u32 $0x3F80, s14  }
0x8b: {  	s8 =	sand.u32 $0xFFF0000, s8;
	s10 =	sadd.s32 s2, s10;
	[tilespmem:v4+s23+$0x0] =	vst.idx.msk $0xffff, v3  }
0x8c: {  	s8 =	sadd.s32 s8, s10;
	[tilespmem:v2+s23+$0x0] =	vst.idx.msk $0xffff, v5  }
0x8d: {  	[hbm4b:s8+s3] =	stream.linear.scatter [tilespmem:s23], [sflag:$0x4], $0x80, $0x38;
	[tilespmem:$0xA600] =	vst v63  }
0x8e: {  	s11 =	simm.s32 $0x9588;
	s10 =	sadd.s32 $0x10, s8  }
0x8f: {  	[hbm4b:s10+s3] =	stream.linear.scatter [tilespmem:s11], [sflag:$0x4], $0x80, $0x38;
	[tilespmem:$0xA600] =	vst v63  }
0x90: {  	s14 =	simm.s32 $0x9610;
	s11 =	sadd.s32 $0x20, s8  }
0x91: {  	[hbm4b:s11+s3] =	stream.linear.scatter [tilespmem:s14], [sflag:$0x4], $0x80, $0x38;
	[tilespmem:$0xA600] =	vst v63  }
0x92: {  	s11 =	sadd.s32 $0x30, s8;
	s14 =	simm.s32 $0x9698  }
0x93: {  	[hbm4b:s11+s3] =	stream.linear.scatter [tilespmem:s14], [sflag:$0x4], $0x80, $0x38;
	[tilespmem:$0xA600] =	vst v63  }
0x94: {  	s11 =	sadd.s32 $0x40, s8;
	s14 =	simm.s32 $0x9720  }
0x95: {  	[hbm4b:s11+s3] =	stream.linear.scatter [tilespmem:s14], [sflag:$0x4], $0x80, $0x38;
	[tilespmem:$0xA600] =	vst v63  }
0x96: {  	s11 =	sadd.s32 $0x50, s8;
	s14 =	simm.s32 $0x97A8  }
0x97: {  	[hbm4b:s11+s3] =	stream.linear.scatter [tilespmem:s14], [sflag:$0x4], $0x80, $0x38;
	[tilespmem:$0xA600] =	vst v63  }
0x98: {  	s11 =	sadd.s32 $0x60, s8;
	s14 =	simm.s32 $0x9830  }
0x99: {  	[hbm4b:s11+s3] =	stream.linear.scatter [tilespmem:s14], [sflag:$0x4], $0x80, $0x38;
	[tilespmem:$0xA600] =	vst v63  }
0x9a: {  	s11 =	sadd.s32 $0x70, s8;
	s14 =	simm.s32 $0x98B8  }
0x9b: {  	[hbm4b:s11+s3] =	stream.linear.scatter [tilespmem:s14], [sflag:$0x4], $0x80, $0x38;
	[tilespmem:$0xA600] =	vst v63  }
0x9c: {  	s11 =	sadd.s32 $0x4000, s8;
	s14 =	simm.s32 $0x9940  }
0x9d: {  	[hbm4b:s11+s3] =	stream.linear.scatter [tilespmem:s14], [sflag:$0x4], $0x80, $0x38;
	[tilespmem:$0xA600] =	vst v63  }
0x9e: {  	s11 =	sadd.s32 $0x4010, s8;
	s14 =	simm.s32 $0x99C8  }
0x9f: {  	[hbm4b:s11+s3] =	stream.linear.scatter [tilespmem:s14], [sflag:$0x4], $0x80, $0x38;
	[tilespmem:$0xA600] =	vst v63  }
0xa0: {  	s11 =	sadd.s32 $0x4020, s8;
	s14 =	simm.s32 $0x9A50  }
0xa1: {  	[hbm4b:s11+s3] =	stream.linear.scatter [tilespmem:s14], [sflag:$0x4], $0x80, $0x38;
	[tilespmem:$0xA600] =	vst v63  }
0xa2: {  	s11 =	sadd.s32 $0x4030, s8;
	s14 =	simm.s32 $0x9AD8  }
0xa3: {  	[hbm4b:s11+s3] =	stream.linear.scatter [tilespmem:s14], [sflag:$0x4], $0x80, $0x38;
	[tilespmem:$0xA600] =	vst v63  }
0xa4: {  	s11 =	sadd.s32 $0x4040, s8;
	s14 =	simm.s32 $0x9B60  }
0xa5: {  	[hbm4b:s11+s3] =	stream.linear.scatter [tilespmem:s14], [sflag:$0x4], $0x80, $0x38;
	[tilespmem:$0xA600] =	vst v63  }
0xa6: {  	s11 =	sadd.s32 $0x4050, s8;
	s14 =	simm.s32 $0x9BE8  }
0xa7: {  	[hbm4b:s11+s3] =	stream.linear.scatter [tilespmem:s14], [sflag:$0x4], $0x80, $0x38;
	[tilespmem:$0xA600] =	vst v63  }
0xa8: {  	s11 =	sadd.s32 $0x4060, s8;
	s14 =	simm.s32 $0x9C70  }
0xa9: {  	[hbm4b:s11+s3] =	stream.linear.scatter [tilespmem:s14], [sflag:$0x4], $0x80, $0x38;
	[tilespmem:$0xA600] =	vst v63  }
0xaa: {  	s11 =	sadd.s32 $0x4070, s8;
	s14 =	simm.s32 $0x9CF8  }
0xab: {  	[hbm4b:s11+s3] =	stream.linear.scatter [tilespmem:s14], [sflag:$0x4], $0x80, $0x38;
	[tilespmem:$0xA600] =	vst v63  }
0xac: {  	s14 =	sadd.s32 $0x8000, s8  }
0xad: {  	[hbm4b:s14+s3] =	stream.linear.scatter [tilespmem:s15], [sflag:$0x4], $0x80, $0x38;
	[tilespmem:$0xA600] =	vst v63  }
0xae: {  	s11 =	sadd.s32 $0x8010, s8  }
0xaf: {  	[hbm4b:s11+s3] =	stream.linear.scatter [tilespmem:s16], [sflag:$0x4], $0x80, $0x38;
	[tilespmem:$0xA600] =	vst v63  }
0xb0: {  	s14 =	sadd.s32 $0x8020, s8  }
0xb1: {  	[hbm4b:s14+s3] =	stream.linear.scatter [tilespmem:s17], [sflag:$0x4], $0x80, $0x38;
	[tilespmem:$0xA600] =	vst v63  }
0xb2: {  	s11 =	sadd.s32 $0x8030, s8  }
0xb3: {  	[hbm4b:s11+s3] =	stream.linear.scatter [tilespmem:s18], [sflag:$0x4], $0x80, $0x38;
	[tilespmem:$0xA600] =	vst v63  }
0xb4: {  	s14 =	sadd.s32 $0x8040, s8  }
0xb5: {  	[hbm4b:s14+s3] =	stream.linear.scatter [tilespmem:s19], [sflag:$0x4], $0x80, $0x38;
	[tilespmem:$0xA600] =	vst v63  }
0xb6: {  	s11 =	sadd.s32 $0x8050, s8  }
0xb7: {  	[hbm4b:s11+s3] =	stream.linear.scatter [tilespmem:s20], [sflag:$0x4], $0x80, $0x38;
	[tilespmem:$0xA600] =	vst v63  }
0xb8: {  	s14 =	sadd.s32 $0x8060, s8  }
0xb9: {  	[hbm4b:s14+s3] =	stream.linear.scatter [tilespmem:s24], [sflag:$0x4], $0x80, $0x38;
	[tilespmem:$0xA600] =	vst v63  }
0xba: {  	s11 =	sadd.s32 $0x8070, s8  }
0xbb: {  	[hbm4b:s11+s3] =	stream.linear.scatter [tilespmem:s25], [sflag:$0x4], $0x80, $0x38;
	[tilespmem:$0xA600] =	vst v63  }
0xbc: {  	s14 =	sadd.s32 $0xC000, s8  }
0xbd: {  	[hbm4b:s14+s3] =	stream.linear.scatter [tilespmem:s26], [sflag:$0x4], $0x80, $0x38;
	[tilespmem:$0xA600] =	vst v63  }
0xbe: {  	s11 =	sadd.s32 $0xC010, s8  }
0xbf: {  	[hbm4b:s11+s3] =	stream.linear.scatter [tilespmem:s28], [sflag:$0x4], $0x80, $0x38;
	[tilespmem:$0xA600] =	vst v63  }
0xc0: {  	s14 =	sadd.s32 $0xC020, s8  }
0xc1: {  	[hbm4b:s14+s3] =	stream.linear.scatter [tilespmem:s29], [sflag:$0x4], $0x80, $0x38;
	[tilespmem:$0xA600] =	vst v63  }
0xc2: {  	s11 =	sadd.s32 $0xC030, s8  }
0xc3: {  	[hbm4b:s11+s3] =	stream.linear.scatter [tilespmem:s30], [sflag:$0x4], $0x80, $0x38;
	[tilespmem:$0xA600] =	vst v63  }
0xc4: {  	s7 =	sadd.s32 $0x1, s7;
	s14 =	sadd.s32 $0xC040, s8  }
0xc5: {  	[hbm4b:s14+s3] =	stream.linear.scatter [tilespmem:s31], [sflag:$0x4], $0x80, $0x38;
	[tilespmem:$0xA600] =	vst v63  }
0xc6: {  	p0 =	sne.s32 s7, $0x64;
	s11 =	sadd.s32 $0xC050, s8  }
0xc7: {  	[hbm4b:s11+s3] =	stream.linear.scatter [tilespmem:s1], [sflag:$0x4], $0x80, $0x38;
	[tilespmem:$0xA600] =	vst v63  }
.Ltmp5:
0xc8: {  	_ = 	snop;
	(pc) =	sbr.rel @p0 .LBB2_2-.Ltmp5, $4  }
0xc9: {  	s14 =	sadd.s32 $0xC060, s8  }
0xca: {  	[hbm4b:s14+s3] =	stream.linear.scatter [tilespmem:s0], [sflag:$0x4], $0x80, $0x38;
	[tilespmem:$0xA600] =	vst v63  }
0xcb: {  	s8 =	sadd.s32 $0xC070, s8  }
0xcc: {  	[hbm4b:s8+s3] =	stream.linear.scatter [tilespmem:s5], [sflag:$0x4], $0x80, $0x38;
	[tilespmem:$0xA600] =	vst v63  }
0xcd: {  	s7 =	simm.s32 $0x3  }
0xce: {  	_ =	swait.ge [sflag:s7], $0x1000  }
0xcf: {  	[sflag:s7] =	ssyncset.done $0x0  }
0xd0: {  	[sflag:s7] =	ssyncadd.s32 $0xFFFFF000  }
0xd1: {  	_ =	swait.ge [sflag:s22], $0x1000  }
0xd2: {  	s8 =	rddreg [dreg:$0x5]  }
0xd3: {  	s14 =	rddreg [dreg:$0x4];
	s8 =	sadd.s32 $0x1, s8  }
0xd4: {  	p0 =	sne.s32 s8, s14  }
.Ltmp6:
0xd5: {  	_ = 	snop;
	(pc) =	sbr.rel @p0 .LBB2_1-.Ltmp6, $3  }
0xd6: {  	_ =	sdelay $0x1  }
0xd7: {  	[sflag:s22] =	ssyncset.done $0x0  }
0xd8: {  	[sflag:s22] =	ssyncadd.s32 $0xFFFFF000  }
0xd9: {  	_ =	sfence.sel $0x180000  }
0xda: {  	[bflag:$0x0] =	sbarrier.arrive $0xFFFF  }
0xdb: {  	_ =	strace $0x90000047  }
0xdc: {  	s0 =	stileid.u32;
	[bflag:$0x2] =	sbarrier.arrive $0xFFFF  }
0xdd: {  	p0 =	sne.s32 s0, $0x0;
	s0 =	rddreg [dreg:$0x2]  }
0xde: {  	s0 =	sadd.s32 @!p0 $0x100000, s0  }
0xdf: {  	[sflag:s0] =	ssyncadd.tile.s32 @!p0 $0x1;
	_ =	shalt  }
.Lfunc_end2:
_tile_overlayer_lowered:
.L_overlay_start_2:
0xe0: {  	(tag) =	ssettag $0x2  }
0xe1: {  	s0 =	rddreg [dreg:$0x0];
	s2 =	stileid.u32  }
0xe2: {  	s1 =	rddreg [dreg:$0x1];
	p0 =	sne.s32 s2, $0x0  }
0xe3: {  	s3 =	rddreg [dreg:$0x2];
	[bflag:$0x3] =	sbarrier.arrive $0xFFFF;
	s2 =	simm.s32 @!p0 $0x1C05  }
0xe4: {  	[timem:s3], [sflag:s2] =	dma.local @!p0 [hbm:s0], s1  }
0xe5: {  	s0 =	simm.s32 @!p0 $0x5  }
0xe6: {  	_ =	swait.ge @!p0 [sflag:s0], s1  }
0xe7: {  	s1 =	ssub.s32 @!p0 $0x0, s1;
	[sflag:s0] =	ssyncset.done @!p0 $0x0  }
0xe8: {  	[sflag:s0] =	ssyncadd.s32 @!p0 s1  }
0xe9: {  	[bflag:$0x3] =	sbarrier.arrive $0xFFFF  }
0xea: {  	_ =	shalt  }

</sc_bundles>
